<compile_context>
chip_gen: v7x
topology: tpu7x:2x2x1
jax: 0.10.2.dev20260603
libtpu: 0.0.44.dev20260713+nightly
codegen_flags: <defaults>
</compile_context>

<pallas_src>
import functools

import jax
import jax.numpy as jnp
from jax import lax
from jax.experimental import pallas as pl
from jax.experimental.pallas import tpu as pltpu
from jax.experimental.pallas import tpu_sc as plsc

C = 19
H = 1024
W = 2048
N = H * W
K = int(0.3 * N)
EPS = 1e-9

NC = 2
NS = 16
NW = NC * NS
NPW = N // NW
CH = NPW // 2
GB = 128
GROUP = 8


def _sc_gather(pred_flat, tgt_flat):
    mesh = plsc.VectorSubcoreMesh(core_axis_name="c", subcore_axis_name="s")

    @functools.partial(
        pl.kernel,
        out_type=jax.ShapeDtypeStruct((N,), jnp.float32),
        mesh=mesh,
        scratch_types=[
            pltpu.VMEM((CH,), jnp.int32),
            pltpu.VMEM((NPW,), jnp.float32),
            pltpu.SemaphoreType.DMA,
        ],
    )
    def k(pred_hbm, tgt_hbm, out_hbm, idx_v, vals_v, sem):
        wid = lax.axis_index("s") * NC + lax.axis_index("c")
        base = wid * NPW
        lane = lax.iota(jnp.int32, 16)
        for h in range(2):
            hbase = base + h * CH
            pltpu.sync_copy(tgt_hbm.at[pl.ds(hbase, CH)], idx_v)

            def idx_body(i, carry):
                sl = pl.ds(i * 16, 16)
                t = idx_v[sl]
                idx_v[sl] = t * N + (hbase + i * 16) + lane
                return carry

            lax.fori_loop(0, CH // 16, idx_body, 0)

            def gather_body(g, carry):
                descs = []
                for j in range(GROUP):
                    off = (g * GROUP + j) * GB
                    descs.append(pltpu.async_copy(
                        pred_hbm.at[idx_v.at[pl.ds(off, GB)]],
                        vals_v.at[pl.ds(h * CH + off, GB)],
                        sem,
                    ))
                for d in descs:
                    d.wait()
                return carry

            lax.fori_loop(0, CH // (GB * GROUP), gather_body, 0)

        pltpu.sync_copy(vals_v, out_hbm.at[pl.ds(base, NPW)])

    return k(pred_flat, tgt_flat)


NB = 4
BR = H // NB


def _tc_body(vals_ref, out_ref, prefix_ref, kr_ref, cnt_ref, acc_ref):
    p = pl.program_id(0)
    b = pl.program_id(1)

    @pl.when(jnp.logical_and(p == 0, b == 0))
    def _():
        prefix_ref[0] = 0
        kr_ref[0] = K
        cnt_ref[0] = 0
        acc_ref[0] = 0.0

    v = vals_ref[...]
    bits = lax.bitcast_convert_type(v, jnp.int32)

    @pl.when(p < 31)
    def _():
        bit = 30 - p
        pfx = prefix_ref[0]
        hi_match = (bits >> (bit + 1)) == (pfx >> (bit + 1))
        zero_bit = ((bits >> bit) & 1) == 0
        c_step = jnp.sum(jnp.logical_and(hi_match, zero_bit).astype(jnp.int32))
        cnt_ref[0] = cnt_ref[0] + c_step

        @pl.when(b == NB - 1)
        def _():
            c = cnt_ref[0]
            take1 = kr_ref[0] > c
            prefix_ref[0] = jnp.where(take1, pfx | (1 << bit), pfx)
            kr_ref[0] = jnp.where(take1, kr_ref[0] - c, kr_ref[0])
            cnt_ref[0] = 0

    @pl.when(p == 31)
    def _():
        pfx = prefix_ref[0]
        s = jnp.sum(jnp.where(bits < pfx, -jnp.log(v + EPS), 0.0))
        acc_ref[0] = acc_ref[0] + s

        @pl.when(b == NB - 1)
        def _():
            vt = lax.bitcast_convert_type(
                jnp.full((1, 1), pfx, jnp.int32), jnp.float32)
            tie_loss = -jnp.log(vt + EPS)[0, 0]
            ties = kr_ref[0].astype(jnp.float32)
            out_ref[0, 0] = (acc_ref[0] + ties * tie_loss) / K


def _tc_select_sum(vals2d):
    return pl.pallas_call(
        _tc_body,
        grid=(32, NB),
        in_specs=[pl.BlockSpec((BR, W), lambda p, b: (b, 0))],
        out_specs=pl.BlockSpec(memory_space=pltpu.SMEM),
        out_shape=jax.ShapeDtypeStruct((1, 1), jnp.float32),
        scratch_shapes=[
            pltpu.SMEM((1,), jnp.int32),
            pltpu.SMEM((1,), jnp.int32),
            pltpu.SMEM((1,), jnp.int32),
            pltpu.SMEM((1,), jnp.float32),
        ],
    )(vals2d)


def kernel(prediction, target):
    pred_flat = prediction.reshape(C * N)
    tgt_flat = target.reshape(N)
    vals = _sc_gather(pred_flat, tgt_flat)
    out = _tc_select_sum(vals.reshape(H, W))
    return out[0, 0]

# --- scband reference (transcript-rebuilt; emitter-appended) ---
"""Pipeline reference for scband-bootstrapped-cross-entropy-28295244546631 (READ-ONLY COPY).

The authoritative reference and input builder live on the scoring server;
editing this copy changes nothing except your own understanding.
"""

import jax, jax.numpy as jnp
import numpy as np

B, C, H, W = 1, 19, 1024, 2048
IGNORE_INDEX = -100
R = 0.3
K = int(R * H * W)

def setup_inputs(seed: int = 0) -> dict:
    key = jax.random.key(seed)
    k1, k2 = jax.random.split(key)
    prediction = jax.random.uniform(k1, (B, C, H, W), dtype=jnp.float32)
    target = jax.random.randint(k2, (B, H, W), 0, C, dtype=jnp.int32)
    return {"prediction": prediction, "target": target}

def reference(prediction, target):
    # Faithful translation of BootstrappedCrossEntropy.forward.
    # The torch code builds a boolean mask that selects, for every pixel whose
    # label != ignore_index, the predicted probability of the true class,
    # takes -log of those values, and averages the top-k largest losses.
    valid = target != IGNORE_INDEX  # [B, H, W]
    tgt = jnp.where(valid, target, 0)
    # gather prediction[b, target[b,h,w], h, w]
    vals = jnp.take_along_axis(prediction, tgt[:, None, :, :], axis=1)[:, 0]  # [B, H, W]
    loss = -jnp.log(vals + 1e-9)
    # invalid pixels are removed from the pool in torch (boolean masking);
    # equivalently, make them never selected by top-k (k <= #valid here)
    loss = jnp.where(valid, loss, -jnp.inf)
    flat = loss.reshape(-1)
    k = K if K <= flat.shape[0] else flat.shape[0]
    top_vals, _ = jax.lax.top_k(flat, k)
    return jnp.sum(top_vals) / k

if __name__ == "__main__":
    import jax
    _d = setup_inputs()
    print(jax.jit(kernel)(*tuple(_d.values())))

</pallas_src>

<mosaic_0001>
#map = affine_map<(d0, d1) -> (0)>
module attributes {stable_mosaic.version = 14 : i64} {
  func.func @k(%arg0: i32, %arg1: i32, %arg2: memref<39845888xf32, #tpu.memory_space<hbm>>, %arg3: memref<2097152xi32, #tpu.memory_space<hbm>>, %arg4: memref<2097152xf32, #tpu.memory_space<hbm>>, %arg5: memref<32768xi32, #tpu.memory_space<vmem>>, %arg6: memref<65536xf32, #tpu.memory_space<vmem>>, %arg7: memref<!tpu.dma_semaphore, #tpu.memory_space<semaphore_mem>>) attributes {dimension_semantics = [#tpu.dimension_semantics<core_parallel>, #tpu.dimension_semantics<subcore_parallel>], iteration_bounds = array<i64: 2, 16>, scalar_prefetch = 0 : i64, scratch_operands = 3 : i64, tpu.core_type = #tpu.core_type<sc_vector_subcore>, window_params = [{transform_indices = #map}, {transform_indices = #map}, {transform_indices = #map}]} {
    %mul3A = arith.constant 2 : i32
    %mul3A_0 = arith.muli %arg1, %mul3A : i32
    %add3A = arith.addi %mul3A_0, %arg0 : i32
    %mul3A_1 = arith.constant 65536 : i32
    %mul3A_2 = arith.muli %add3A, %mul3A_1 : i32
    %iota3A = tpu.iota {dimensions = array<i32: 0>} : vector<16xi32>
    %add3A_3 = arith.constant 0 : i32
    %add3A_4 = arith.addi %mul3A_2, %add3A_3 : i32
    "tpu.region"() ({
      %run_scoped3A = tpu.sem_alloc : memref<!tpu.dma_semaphore, #tpu.memory_space<semaphore_mem>>
      %dma_start3A = tpu.memref_slice %arg3[%add3A_4] : memref<2097152xi32, #tpu.memory_space<hbm>> -> memref<32768xi32, #tpu.memory_space<hbm>>
      %dma_start3A_30 = tpu.memref_slice %arg3[%add3A_4] : memref<2097152xi32, #tpu.memory_space<hbm>> -> memref<32768xi32, #tpu.memory_space<hbm>>
      tpu.enqueue_dma source(%dma_start3A_30 : memref<32768xi32, #tpu.memory_space<hbm>>) target(%arg5 : memref<32768xi32, #tpu.memory_space<vmem>>) target_semaphore(%run_scoped3A : memref<!tpu.dma_semaphore, #tpu.memory_space<semaphore_mem>>)
      %dma_wait3A = tpu.memref_slice %arg3[%add3A_4] : memref<2097152xi32, #tpu.memory_space<hbm>> -> memref<32768xi32, #tpu.memory_space<hbm>>
      %dma_wait3A_31 = tpu.memref_slice %arg3[%add3A_4] : memref<2097152xi32, #tpu.memory_space<hbm>> -> memref<32768xi32, #tpu.memory_space<hbm>>
      tpu.wait_dma2 semaphore(%run_scoped3A : memref<!tpu.dma_semaphore, #tpu.memory_space<semaphore_mem>>) src(%dma_wait3A_31 : memref<32768xi32, #tpu.memory_space<hbm>>) dst(%arg5 : memref<32768xi32, #tpu.memory_space<vmem>>)
      tpu.yield
    }) : () -> ()
    %scan3A = arith.constant 0 : i32
    %scan3A_5 = arith.constant 0 : i32
    %scan3A_6 = arith.constant 2048 : i32
    %scan3A_7 = arith.addi %scan3A_5, %scan3A_6 : i32
    %scan3A_8 = arith.constant 1 : i32
    scf.for %scan3A_30 = %scan3A_5 to %scan3A_7 step %scan3A_8  : i32 {
      %mul3A_31 = arith.constant 16 : i32
      %mul3A_32 = arith.muli %scan3A_30, %mul3A_31 : i32
      %get3A = arith.index_cast %mul3A_32 : i32 to index
      %get3A_33 = tpu.vector_load %arg5[%get3A] {strides = array<i32>} : memref<32768xi32, #tpu.memory_space<vmem>>, vector<16xi32>,
      %get3A_34 = vector.shape_cast %get3A_33 : vector<16xi32> to vector<16xi32>
      %mul3A_35 = arith.constant 2097152 : i32
      %mul3A_36 = vector.broadcast %mul3A_35 : i32 to vector<16xi32>
      %mul3A_37 = arith.muli %get3A_34, %mul3A_36 : vector<16xi32>
      %mul3A_38 = arith.constant 16 : i32
      %mul3A_39 = arith.muli %scan3A_30, %mul3A_38 : i32
      %add3A_40 = arith.addi %add3A_4, %mul3A_39 : i32
      %add3A_41 = vector.broadcast %add3A_40 : i32 to vector<16xi32>
      %add3A_42 = arith.addi %mul3A_37, %add3A_41 : vector<16xi32>
      %add3A_43 = arith.addi %add3A_42, %iota3A : vector<16xi32>
      %swap3A = arith.index_cast %mul3A_32 : i32 to index
      %swap3A_44 = tpu.vector_load %arg5[%swap3A] {strides = array<i32>} : memref<32768xi32, #tpu.memory_space<vmem>>, vector<16xi32>,
      %swap3A_45 = vector.shape_cast %swap3A_44 : vector<16xi32> to vector<16xi32>
      %swap3A_46 = vector.shape_cast %add3A_43 : vector<16xi32> to vector<16xi32>
      tpu.vector_store %arg5[%swap3A], %swap3A_46 {strides = array<i32>} : memref<32768xi32, #tpu.memory_space<vmem>>, vector<16xi32>,
    }
    %scan3A_9 = arith.constant 2048 : i32
    %scan3A_10 = arith.constant 0 : i32
    %scan3A_11 = arith.constant 0 : i32
    %scan3A_12 = arith.constant 32 : i32
    %scan3A_13 = arith.addi %scan3A_11, %scan3A_12 : i32
    %scan3A_14 = arith.constant 1 : i32
    scf.for %scan3A_30 = %scan3A_11 to %scan3A_13 step %scan3A_14  : i32 {
      %mul3A_31 = arith.constant 8 : i32
      %mul3A_32 = arith.muli %scan3A_30, %mul3A_31 : i32
      %add3A_33 = arith.constant 0 : i32
      %add3A_34 = arith.addi %mul3A_32, %add3A_33 : i32
      %mul3A_35 = arith.constant 128 : i32
      %mul3A_36 = arith.muli %add3A_34, %mul3A_35 : i32
      %add3A_37 = arith.constant 0 : i32
      %add3A_38 = arith.addi %add3A_37, %mul3A_36 : i32
      %dma_start3A = tpu.memref_slice %arg6[%add3A_38] : memref<65536xf32, #tpu.memory_space<vmem>> -> memref<128xf32, #tpu.memory_space<vmem>>
      %dma_start3A_39 = tpu.memref_slice %arg5[%mul3A_36] : memref<32768xi32, #tpu.memory_space<vmem>> -> memref<128xi32, #tpu.memory_space<vmem>>
      %dma_start3A_40 = arith.constant 0 : i32
      %dma_start3A_41 = tpu.memref_slice %arg2[%dma_start3A_40] : memref<39845888xf32, #tpu.memory_space<hbm>> -> memref<39845888xf32, #tpu.memory_space<hbm>>
      tpu.enqueue_indirect_dma source(%dma_start3A_41 : memref<39845888xf32, #tpu.memory_space<hbm>>) target(%dma_start3A : memref<128xf32, #tpu.memory_space<vmem>>) offsets(%dma_start3A_39 : memref<128xi32, #tpu.memory_space<vmem>>) semaphore(%arg7 : memref<!tpu.dma_semaphore, #tpu.memory_space<semaphore_mem>>)
      %mul3A_42 = arith.constant 8 : i32
      %mul3A_43 = arith.muli %scan3A_30, %mul3A_42 : i32
      %add3A_44 = arith.constant 1 : i32
      %add3A_45 = arith.addi %mul3A_43, %add3A_44 : i32
      %mul3A_46 = arith.constant 128 : i32
      %mul3A_47 = arith.muli %add3A_45, %mul3A_46 : i32
      %add3A_48 = arith.constant 0 : i32
      %add3A_49 = arith.addi %add3A_48, %mul3A_47 : i32
      %dma_start3A_50 = tpu.memref_slice %arg6[%add3A_49] : memref<65536xf32, #tpu.memory_space<vmem>> -> memref<128xf32, #tpu.memory_space<vmem>>
      %dma_start3A_51 = tpu.memref_slice %arg5[%mul3A_47] : memref<32768xi32, #tpu.memory_space<vmem>> -> memref<128xi32, #tpu.memory_space<vmem>>
      %dma_start3A_52 = arith.constant 0 : i32
      %dma_start3A_53 = tpu.memref_slice %arg2[%dma_start3A_52] : memref<39845888xf32, #tpu.memory_space<hbm>> -> memref<39845888xf32, #tpu.memory_space<hbm>>
      tpu.enqueue_indirect_dma source(%dma_start3A_53 : memref<39845888xf32, #tpu.memory_space<hbm>>) target(%dma_start3A_50 : memref<128xf32, #tpu.memory_space<vmem>>) offsets(%dma_start3A_51 : memref<128xi32, #tpu.memory_space<vmem>>) semaphore(%arg7 : memref<!tpu.dma_semaphore, #tpu.memory_space<semaphore_mem>>)
      %mul3A_54 = arith.constant 8 : i32
      %mul3A_55 = arith.muli %scan3A_30, %mul3A_54 : i32
      %add3A_56 = arith.constant 2 : i32
      %add3A_57 = arith.addi %mul3A_55, %add3A_56 : i32
      %mul3A_58 = arith.constant 128 : i32
      %mul3A_59 = arith.muli %add3A_57, %mul3A_58 : i32
      %add3A_60 = arith.constant 0 : i32
      %add3A_61 = arith.addi %add3A_60, %mul3A_59 : i32
      %dma_start3A_62 = tpu.memref_slice %arg6[%add3A_61] : memref<65536xf32, #tpu.memory_space<vmem>> -> memref<128xf32, #tpu.memory_space<vmem>>
      %dma_start3A_63 = tpu.memref_slice %arg5[%mul3A_59] : memref<32768xi32, #tpu.memory_space<vmem>> -> memref<128xi32, #tpu.memory_space<vmem>>
      %dma_start3A_64 = arith.constant 0 : i32
      %dma_start3A_65 = tpu.memref_slice %arg2[%dma_start3A_64] : memref<39845888xf32, #tpu.memory_space<hbm>> -> memref<39845888xf32, #tpu.memory_space<hbm>>
      tpu.enqueue_indirect_dma source(%dma_start3A_65 : memref<39845888xf32, #tpu.memory_space<hbm>>) target(%dma_start3A_62 : memref<128xf32, #tpu.memory_space<vmem>>) offsets(%dma_start3A_63 : memref<128xi32, #tpu.memory_space<vmem>>) semaphore(%arg7 : memref<!tpu.dma_semaphore, #tpu.memory_space<semaphore_mem>>)
      %mul3A_66 = arith.constant 8 : i32
      %mul3A_67 = arith.muli %scan3A_30, %mul3A_66 : i32
      %add3A_68 = arith.constant 3 : i32
      %add3A_69 = arith.addi %mul3A_67, %add3A_68 : i32
      %mul3A_70 = arith.constant 128 : i32
      %mul3A_71 = arith.muli %add3A_69, %mul3A_70 : i32
      %add3A_72 = arith.constant 0 : i32
      %add3A_73 = arith.addi %add3A_72, %mul3A_71 : i32
      %dma_start3A_74 = tpu.memref_slice %arg6[%add3A_73] : memref<65536xf32, #tpu.memory_space<vmem>> -> memref<128xf32, #tpu.memory_space<vmem>>
      %dma_start3A_75 = tpu.memref_slice %arg5[%mul3A_71] : memref<32768xi32, #tpu.memory_space<vmem>> -> memref<128xi32, #tpu.memory_space<vmem>>
      %dma_start3A_76 = arith.constant 0 : i32
      %dma_start3A_77 = tpu.memref_slice %arg2[%dma_start3A_76] : memref<39845888xf32, #tpu.memory_space<hbm>> -> memref<39845888xf32, #tpu.memory_space<hbm>>
      tpu.enqueue_indirect_dma source(%dma_start3A_77 : memref<39845888xf32, #tpu.memory_space<hbm>>) target(%dma_start3A_74 : memref<128xf32, #tpu.memory_space<vmem>>) offsets(%dma_start3A_75 : memref<128xi32, #tpu.memory_space<vmem>>) semaphore(%arg7 : memref<!tpu.dma_semaphore, #tpu.memory_space<semaphore_mem>>)
      %mul3A_78 = arith.constant 8 : i32
      %mul3A_79 = arith.muli %scan3A_30, %mul3A_78 : i32
      %add3A_80 = arith.constant 4 : i32
      %add3A_81 = arith.addi %mul3A_79, %add3A_80 : i32
      %mul3A_82 = arith.constant 128 : i32
      %mul3A_83 = arith.muli %add3A_81, %mul3A_82 : i32
      %add3A_84 = arith.constant 0 : i32
      %add3A_85 = arith.addi %add3A_84, %mul3A_83 : i32
      %dma_start3A_86 = tpu.memref_slice %arg6[%add3A_85] : memref<65536xf32, #tpu.memory_space<vmem>> -> memref<128xf32, #tpu.memory_space<vmem>>
      %dma_start3A_87 = tpu.memref_slice %arg5[%mul3A_83] : memref<32768xi32, #tpu.memory_space<vmem>> -> memref<128xi32, #tpu.memory_space<vmem>>
      %dma_start3A_88 = arith.constant 0 : i32
      %dma_start3A_89 = tpu.memref_slice %arg2[%dma_start3A_88] : memref<39845888xf32, #tpu.memory_space<hbm>> -> memref<39845888xf32, #tpu.memory_space<hbm>>
      tpu.enqueue_indirect_dma source(%dma_start3A_89 : memref<39845888xf32, #tpu.memory_space<hbm>>) target(%dma_start3A_86 : memref<128xf32, #tpu.memory_space<vmem>>) offsets(%dma_start3A_87 : memref<128xi32, #tpu.memory_space<vmem>>) semaphore(%arg7 : memref<!tpu.dma_semaphore, #tpu.memory_space<semaphore_mem>>)
      %mul3A_90 = arith.constant 8 : i32
      %mul3A_91 = arith.muli %scan3A_30, %mul3A_90 : i32
      %add3A_92 = arith.constant 5 : i32
      %add3A_93 = arith.addi %mul3A_91, %add3A_92 : i32
      %mul3A_94 = arith.constant 128 : i32
      %mul3A_95 = arith.muli %add3A_93, %mul3A_94 : i32
      %add3A_96 = arith.constant 0 : i32
      %add3A_97 = arith.addi %add3A_96, %mul3A_95 : i32
      %dma_start3A_98 = tpu.memref_slice %arg6[%add3A_97] : memref<65536xf32, #tpu.memory_space<vmem>> -> memref<128xf32, #tpu.memory_space<vmem>>
      %dma_start3A_99 = tpu.memref_slice %arg5[%mul3A_95] : memref<32768xi32, #tpu.memory_space<vmem>> -> memref<128xi32, #tpu.memory_space<vmem>>
      %dma_start3A_100 = arith.constant 0 : i32
      %dma_start3A_101 = tpu.memref_slice %arg2[%dma_start3A_100] : memref<39845888xf32, #tpu.memory_space<hbm>> -> memref<39845888xf32, #tpu.memory_space<hbm>>
      tpu.enqueue_indirect_dma source(%dma_start3A_101 : memref<39845888xf32, #tpu.memory_space<hbm>>) target(%dma_start3A_98 : memref<128xf32, #tpu.memory_space<vmem>>) offsets(%dma_start3A_99 : memref<128xi32, #tpu.memory_space<vmem>>) semaphore(%arg7 : memref<!tpu.dma_semaphore, #tpu.memory_space<semaphore_mem>>)
      %mul3A_102 = arith.constant 8 : i32
      %mul3A_103 = arith.muli %scan3A_30, %mul3A_102 : i32
      %add3A_104 = arith.constant 6 : i32
      %add3A_105 = arith.addi %mul3A_103, %add3A_104 : i32
      %mul3A_106 = arith.constant 128 : i32
      %mul3A_107 = arith.muli %add3A_105, %mul3A_106 : i32
      %add3A_108 = arith.constant 0 : i32
      %add3A_109 = arith.addi %add3A_108, %mul3A_107 : i32
      %dma_start3A_110 = tpu.memref_slice %arg6[%add3A_109] : memref<65536xf32, #tpu.memory_space<vmem>> -> memref<128xf32, #tpu.memory_space<vmem>>
      %dma_start3A_111 = tpu.memref_slice %arg5[%mul3A_107] : memref<32768xi32, #tpu.memory_space<vmem>> -> memref<128xi32, #tpu.memory_space<vmem>>
      %dma_start3A_112 = arith.constant 0 : i32
      %dma_start3A_113 = tpu.memref_slice %arg2[%dma_start3A_112] : memref<39845888xf32, #tpu.memory_space<hbm>> -> memref<39845888xf32, #tpu.memory_space<hbm>>
      tpu.enqueue_indirect_dma source(%dma_start3A_113 : memref<39845888xf32, #tpu.memory_space<hbm>>) target(%dma_start3A_110 : memref<128xf32, #tpu.memory_space<vmem>>) offsets(%dma_start3A_111 : memref<128xi32, #tpu.memory_space<vmem>>) semaphore(%arg7 : memref<!tpu.dma_semaphore, #tpu.memory_space<semaphore_mem>>)
      %mul3A_114 = arith.constant 8 : i32
      %mul3A_115 = arith.muli %scan3A_30, %mul3A_114 : i32
      %add3A_116 = arith.constant 7 : i32
      %add3A_117 = arith.addi %mul3A_115, %add3A_116 : i32
      %mul3A_118 = arith.constant 128 : i32
      %mul3A_119 = arith.muli %add3A_117, %mul3A_118 : i32
      %add3A_120 = arith.constant 0 : i32
      %add3A_121 = arith.addi %add3A_120, %mul3A_119 : i32
      %dma_start3A_122 = tpu.memref_slice %arg6[%add3A_121] : memref<65536xf32, #tpu.memory_space<vmem>> -> memref<128xf32, #tpu.memory_space<vmem>>
      %dma_start3A_123 = tpu.memref_slice %arg5[%mul3A_119] : memref<32768xi32, #tpu.memory_space<vmem>> -> memref<128xi32, #tpu.memory_space<vmem>>
      %dma_start3A_124 = arith.constant 0 : i32
      %dma_start3A_125 = tpu.memref_slice %arg2[%dma_start3A_124] : memref<39845888xf32, #tpu.memory_space<hbm>> -> memref<39845888xf32, #tpu.memory_space<hbm>>
      tpu.enqueue_indirect_dma source(%dma_start3A_125 : memref<39845888xf32, #tpu.memory_space<hbm>>) target(%dma_start3A_122 : memref<128xf32, #tpu.memory_space<vmem>>) offsets(%dma_start3A_123 : memref<128xi32, #tpu.memory_space<vmem>>) semaphore(%arg7 : memref<!tpu.dma_semaphore, #tpu.memory_space<semaphore_mem>>)
      %dma_wait3A = tpu.memref_slice %arg6[%add3A_38] : memref<65536xf32, #tpu.memory_space<vmem>> -> memref<128xf32, #tpu.memory_space<vmem>>
      %dma_wait3A_126 = tpu.memref_slice %arg5[%mul3A_36] : memref<32768xi32, #tpu.memory_space<vmem>> -> memref<128xi32, #tpu.memory_space<vmem>>
      %dma_wait3A_127 = arith.constant 0 : i32
      %dma_wait3A_128 = tpu.memref_slice %arg2[%dma_wait3A_127] : memref<39845888xf32, #tpu.memory_space<hbm>> -> memref<39845888xf32, #tpu.memory_space<hbm>>
      tpu.wait_indirect_dma semaphore(%arg7 : memref<!tpu.dma_semaphore, #tpu.memory_space<semaphore_mem>>) src(%dma_wait3A_128 : memref<39845888xf32, #tpu.memory_space<hbm>>) dst(%dma_wait3A : memref<128xf32, #tpu.memory_space<vmem>>)
      %dma_wait3A_129 = tpu.memref_slice %arg6[%add3A_49] : memref<65536xf32, #tpu.memory_space<vmem>> -> memref<128xf32, #tpu.memory_space<vmem>>
      %dma_wait3A_130 = tpu.memref_slice %arg5[%mul3A_47] : memref<32768xi32, #tpu.memory_space<vmem>> -> memref<128xi32, #tpu.memory_space<vmem>>
      %dma_wait3A_131 = arith.constant 0 : i32
      %dma_wait3A_132 = tpu.memref_slice %arg2[%dma_wait3A_131] : memref<39845888xf32, #tpu.memory_space<hbm>> -> memref<39845888xf32, #tpu.memory_space<hbm>>
      tpu.wait_indirect_dma semaphore(%arg7 : memref<!tpu.dma_semaphore, #tpu.memory_space<semaphore_mem>>) src(%dma_wait3A_132 : memref<39845888xf32, #tpu.memory_space<hbm>>) dst(%dma_wait3A_129 : memref<128xf32, #tpu.memory_space<vmem>>)
      %dma_wait3A_133 = tpu.memref_slice %arg6[%add3A_61] : memref<65536xf32, #tpu.memory_space<vmem>> -> memref<128xf32, #tpu.memory_space<vmem>>
      %dma_wait3A_134 = tpu.memref_slice %arg5[%mul3A_59] : memref<32768xi32, #tpu.memory_space<vmem>> -> memref<128xi32, #tpu.memory_space<vmem>>
      %dma_wait3A_135 = arith.constant 0 : i32
      %dma_wait3A_136 = tpu.memref_slice %arg2[%dma_wait3A_135] : memref<39845888xf32, #tpu.memory_space<hbm>> -> memref<39845888xf32, #tpu.memory_space<hbm>>
      tpu.wait_indirect_dma semaphore(%arg7 : memref<!tpu.dma_semaphore, #tpu.memory_space<semaphore_mem>>) src(%dma_wait3A_136 : memref<39845888xf32, #tpu.memory_space<hbm>>) dst(%dma_wait3A_133 : memref<128xf32, #tpu.memory_space<vmem>>)
      %dma_wait3A_137 = tpu.memref_slice %arg6[%add3A_73] : memref<65536xf32, #tpu.memory_space<vmem>> -> memref<128xf32, #tpu.memory_space<vmem>>
      %dma_wait3A_138 = tpu.memref_slice %arg5[%mul3A_71] : memref<32768xi32, #tpu.memory_space<vmem>> -> memref<128xi32, #tpu.memory_space<vmem>>
      %dma_wait3A_139 = arith.constant 0 : i32
      %dma_wait3A_140 = tpu.memref_slice %arg2[%dma_wait3A_139] : memref<39845888xf32, #tpu.memory_space<hbm>> -> memref<39845888xf32, #tpu.memory_space<hbm>>
      tpu.wait_indirect_dma semaphore(%arg7 : memref<!tpu.dma_semaphore, #tpu.memory_space<semaphore_mem>>) src(%dma_wait3A_140 : memref<39845888xf32, #tpu.memory_space<hbm>>) dst(%dma_wait3A_137 : memref<128xf32, #tpu.memory_space<vmem>>)
      %dma_wait3A_141 = tpu.memref_slice %arg6[%add3A_85] : memref<65536xf32, #tpu.memory_space<vmem>> -> memref<128xf32, #tpu.memory_space<vmem>>
      %dma_wait3A_142 = tpu.memref_slice %arg5[%mul3A_83] : memref<32768xi32, #tpu.memory_space<vmem>> -> memref<128xi32, #tpu.memory_space<vmem>>
      %dma_wait3A_143 = arith.constant 0 : i32
      %dma_wait3A_144 = tpu.memref_slice %arg2[%dma_wait3A_143] : memref<39845888xf32, #tpu.memory_space<hbm>> -> memref<39845888xf32, #tpu.memory_space<hbm>>
      tpu.wait_indirect_dma semaphore(%arg7 : memref<!tpu.dma_semaphore, #tpu.memory_space<semaphore_mem>>) src(%dma_wait3A_144 : memref<39845888xf32, #tpu.memory_space<hbm>>) dst(%dma_wait3A_141 : memref<128xf32, #tpu.memory_space<vmem>>)
      %dma_wait3A_145 = tpu.memref_slice %arg6[%add3A_97] : memref<65536xf32, #tpu.memory_space<vmem>> -> memref<128xf32, #tpu.memory_space<vmem>>
      %dma_wait3A_146 = tpu.memref_slice %arg5[%mul3A_95] : memref<32768xi32, #tpu.memory_space<vmem>> -> memref<128xi32, #tpu.memory_space<vmem>>
      %dma_wait3A_147 = arith.constant 0 : i32
      %dma_wait3A_148 = tpu.memref_slice %arg2[%dma_wait3A_147] : memref<39845888xf32, #tpu.memory_space<hbm>> -> memref<39845888xf32, #tpu.memory_space<hbm>>
      tpu.wait_indirect_dma semaphore(%arg7 : memref<!tpu.dma_semaphore, #tpu.memory_space<semaphore_mem>>) src(%dma_wait3A_148 : memref<39845888xf32, #tpu.memory_space<hbm>>) dst(%dma_wait3A_145 : memref<128xf32, #tpu.memory_space<vmem>>)
      %dma_wait3A_149 = tpu.memref_slice %arg6[%add3A_109] : memref<65536xf32, #tpu.memory_space<vmem>> -> memref<128xf32, #tpu.memory_space<vmem>>
      %dma_wait3A_150 = tpu.memref_slice %arg5[%mul3A_107] : memref<32768xi32, #tpu.memory_space<vmem>> -> memref<128xi32, #tpu.memory_space<vmem>>
      %dma_wait3A_151 = arith.constant 0 : i32
      %dma_wait3A_152 = tpu.memref_slice %arg2[%dma_wait3A_151] : memref<39845888xf32, #tpu.memory_space<hbm>> -> memref<39845888xf32, #tpu.memory_space<hbm>>
      tpu.wait_indirect_dma semaphore(%arg7 : memref<!tpu.dma_semaphore, #tpu.memory_space<semaphore_mem>>) src(%dma_wait3A_152 : memref<39845888xf32, #tpu.memory_space<hbm>>) dst(%dma_wait3A_149 : memref<128xf32, #tpu.memory_space<vmem>>)
      %dma_wait3A_153 = tpu.memref_slice %arg6[%add3A_121] : memref<65536xf32, #tpu.memory_space<vmem>> -> memref<128xf32, #tpu.memory_space<vmem>>
      %dma_wait3A_154 = tpu.memref_slice %arg5[%mul3A_119] : memref<32768xi32, #tpu.memory_space<vmem>> -> memref<128xi32, #tpu.memory_space<vmem>>
      %dma_wait3A_155 = arith.constant 0 : i32
      %dma_wait3A_156 = tpu.memref_slice %arg2[%dma_wait3A_155] : memref<39845888xf32, #tpu.memory_space<hbm>> -> memref<39845888xf32, #tpu.memory_space<hbm>>
      tpu.wait_indirect_dma semaphore(%arg7 : memref<!tpu.dma_semaphore, #tpu.memory_space<semaphore_mem>>) src(%dma_wait3A_156 : memref<39845888xf32, #tpu.memory_space<hbm>>) dst(%dma_wait3A_153 : memref<128xf32, #tpu.memory_space<vmem>>)
    }
    %scan3A_15 = arith.constant 32 : i32
    %add3A_16 = arith.constant 32768 : i32
    %add3A_17 = arith.addi %mul3A_2, %add3A_16 : i32
    "tpu.region"() ({
      %run_scoped3A = tpu.sem_alloc : memref<!tpu.dma_semaphore, #tpu.memory_space<semaphore_mem>>
      %dma_start3A = tpu.memref_slice %arg3[%add3A_17] : memref<2097152xi32, #tpu.memory_space<hbm>> -> memref<32768xi32, #tpu.memory_space<hbm>>
      %dma_start3A_30 = tpu.memref_slice %arg3[%add3A_17] : memref<2097152xi32, #tpu.memory_space<hbm>> -> memref<32768xi32, #tpu.memory_space<hbm>>
      tpu.enqueue_dma source(%dma_start3A_30 : memref<32768xi32, #tpu.memory_space<hbm>>) target(%arg5 : memref<32768xi32, #tpu.memory_space<vmem>>) target_semaphore(%run_scoped3A : memref<!tpu.dma_semaphore, #tpu.memory_space<semaphore_mem>>)
      %dma_wait3A = tpu.memref_slice %arg3[%add3A_17] : memref<2097152xi32, #tpu.memory_space<hbm>> -> memref<32768xi32, #tpu.memory_space<hbm>>
      %dma_wait3A_31 = tpu.memref_slice %arg3[%add3A_17] : memref<2097152xi32, #tpu.memory_space<hbm>> -> memref<32768xi32, #tpu.memory_space<hbm>>
      tpu.wait_dma2 semaphore(%run_scoped3A : memref<!tpu.dma_semaphore, #tpu.memory_space<semaphore_mem>>) src(%dma_wait3A_31 : memref<32768xi32, #tpu.memory_space<hbm>>) dst(%arg5 : memref<32768xi32, #tpu.memory_space<vmem>>)
      tpu.yield
    }) : () -> ()
    %scan3A_18 = arith.constant 0 : i32
    %scan3A_19 = arith.constant 0 : i32
    %scan3A_20 = arith.constant 2048 : i32
    %scan3A_21 = arith.addi %scan3A_19, %scan3A_20 : i32
    %scan3A_22 = arith.constant 1 : i32
    scf.for %scan3A_30 = %scan3A_19 to %scan3A_21 step %scan3A_22  : i32 {
      %mul3A_31 = arith.constant 16 : i32
      %mul3A_32 = arith.muli %scan3A_30, %mul3A_31 : i32
      %get3A = arith.index_cast %mul3A_32 : i32 to index
      %get3A_33 = tpu.vector_load %arg5[%get3A] {strides = array<i32>} : memref<32768xi32, #tpu.memory_space<vmem>>, vector<16xi32>,
      %get3A_34 = vector.shape_cast %get3A_33 : vector<16xi32> to vector<16xi32>
      %mul3A_35 = arith.constant 2097152 : i32
      %mul3A_36 = vector.broadcast %mul3A_35 : i32 to vector<16xi32>
      %mul3A_37 = arith.muli %get3A_34, %mul3A_36 : vector<16xi32>
      %mul3A_38 = arith.constant 16 : i32
      %mul3A_39 = arith.muli %scan3A_30, %mul3A_38 : i32
      %add3A_40 = arith.addi %add3A_17, %mul3A_39 : i32
      %add3A_41 = vector.broadcast %add3A_40 : i32 to vector<16xi32>
      %add3A_42 = arith.addi %mul3A_37, %add3A_41 : vector<16xi32>
      %add3A_43 = arith.addi %add3A_42, %iota3A : vector<16xi32>
      %swap3A = arith.index_cast %mul3A_32 : i32 to index
      %swap3A_44 = tpu.vector_load %arg5[%swap3A] {strides = array<i32>} : memref<32768xi32, #tpu.memory_space<vmem>>, vector<16xi32>,
      %swap3A_45 = vector.shape_cast %swap3A_44 : vector<16xi32> to vector<16xi32>
      %swap3A_46 = vector.shape_cast %add3A_43 : vector<16xi32> to vector<16xi32>
      tpu.vector_store %arg5[%swap3A], %swap3A_46 {strides = array<i32>} : memref<32768xi32, #tpu.memory_space<vmem>>, vector<16xi32>,
    }
    %scan3A_23 = arith.constant 2048 : i32
    %scan3A_24 = arith.constant 0 : i32
    %scan3A_25 = arith.constant 0 : i32
    %scan3A_26 = arith.constant 32 : i32
    %scan3A_27 = arith.addi %scan3A_25, %scan3A_26 : i32
    %scan3A_28 = arith.constant 1 : i32
    scf.for %scan3A_30 = %scan3A_25 to %scan3A_27 step %scan3A_28  : i32 {
      %mul3A_31 = arith.constant 8 : i32
      %mul3A_32 = arith.muli %scan3A_30, %mul3A_31 : i32
      %add3A_33 = arith.constant 0 : i32
      %add3A_34 = arith.addi %mul3A_32, %add3A_33 : i32
      %mul3A_35 = arith.constant 128 : i32
      %mul3A_36 = arith.muli %add3A_34, %mul3A_35 : i32
      %add3A_37 = arith.constant 32768 : i32
      %add3A_38 = arith.addi %add3A_37, %mul3A_36 : i32
      %dma_start3A = tpu.memref_slice %arg6[%add3A_38] : memref<65536xf32, #tpu.memory_space<vmem>> -> memref<128xf32, #tpu.memory_space<vmem>>
      %dma_start3A_39 = tpu.memref_slice %arg5[%mul3A_36] : memref<32768xi32, #tpu.memory_space<vmem>> -> memref<128xi32, #tpu.memory_space<vmem>>
      %dma_start3A_40 = arith.constant 0 : i32
      %dma_start3A_41 = tpu.memref_slice %arg2[%dma_start3A_40] : memref<39845888xf32, #tpu.memory_space<hbm>> -> memref<39845888xf32, #tpu.memory_space<hbm>>
      tpu.enqueue_indirect_dma source(%dma_start3A_41 : memref<39845888xf32, #tpu.memory_space<hbm>>) target(%dma_start3A : memref<128xf32, #tpu.memory_space<vmem>>) offsets(%dma_start3A_39 : memref<128xi32, #tpu.memory_space<vmem>>) semaphore(%arg7 : memref<!tpu.dma_semaphore, #tpu.memory_space<semaphore_mem>>)
      %mul3A_42 = arith.constant 8 : i32
      %mul3A_43 = arith.muli %scan3A_30, %mul3A_42 : i32
      %add3A_44 = arith.constant 1 : i32
      %add3A_45 = arith.addi %mul3A_43, %add3A_44 : i32
      %mul3A_46 = arith.constant 128 : i32
      %mul3A_47 = arith.muli %add3A_45, %mul3A_46 : i32
      %add3A_48 = arith.constant 32768 : i32
      %add3A_49 = arith.addi %add3A_48, %mul3A_47 : i32
      %dma_start3A_50 = tpu.memref_slice %arg6[%add3A_49] : memref<65536xf32, #tpu.memory_space<vmem>> -> memref<128xf32, #tpu.memory_space<vmem>>
      %dma_start3A_51 = tpu.memref_slice %arg5[%mul3A_47] : memref<32768xi32, #tpu.memory_space<vmem>> -> memref<128xi32, #tpu.memory_space<vmem>>
      %dma_start3A_52 = arith.constant 0 : i32
      %dma_start3A_53 = tpu.memref_slice %arg2[%dma_start3A_52] : memref<39845888xf32, #tpu.memory_space<hbm>> -> memref<39845888xf32, #tpu.memory_space<hbm>>
      tpu.enqueue_indirect_dma source(%dma_start3A_53 : memref<39845888xf32, #tpu.memory_space<hbm>>) target(%dma_start3A_50 : memref<128xf32, #tpu.memory_space<vmem>>) offsets(%dma_start3A_51 : memref<128xi32, #tpu.memory_space<vmem>>) semaphore(%arg7 : memref<!tpu.dma_semaphore, #tpu.memory_space<semaphore_mem>>)
      %mul3A_54 = arith.constant 8 : i32
      %mul3A_55 = arith.muli %scan3A_30, %mul3A_54 : i32
      %add3A_56 = arith.constant 2 : i32
      %add3A_57 = arith.addi %mul3A_55, %add3A_56 : i32
      %mul3A_58 = arith.constant 128 : i32
      %mul3A_59 = arith.muli %add3A_57, %mul3A_58 : i32
      %add3A_60 = arith.constant 32768 : i32
      %add3A_61 = arith.addi %add3A_60, %mul3A_59 : i32
      %dma_start3A_62 = tpu.memref_slice %arg6[%add3A_61] : memref<65536xf32, #tpu.memory_space<vmem>> -> memref<128xf32, #tpu.memory_space<vmem>>
      %dma_start3A_63 = tpu.memref_slice %arg5[%mul3A_59] : memref<32768xi32, #tpu.memory_space<vmem>> -> memref<128xi32, #tpu.memory_space<vmem>>
      %dma_start3A_64 = arith.constant 0 : i32
      %dma_start3A_65 = tpu.memref_slice %arg2[%dma_start3A_64] : memref<39845888xf32, #tpu.memory_space<hbm>> -> memref<39845888xf32, #tpu.memory_space<hbm>>
      tpu.enqueue_indirect_dma source(%dma_start3A_65 : memref<39845888xf32, #tpu.memory_space<hbm>>) target(%dma_start3A_62 : memref<128xf32, #tpu.memory_space<vmem>>) offsets(%dma_start3A_63 : memref<128xi32, #tpu.memory_space<vmem>>) semaphore(%arg7 : memref<!tpu.dma_semaphore, #tpu.memory_space<semaphore_mem>>)
      %mul3A_66 = arith.constant 8 : i32
      %mul3A_67 = arith.muli %scan3A_30, %mul3A_66 : i32
      %add3A_68 = arith.constant 3 : i32
      %add3A_69 = arith.addi %mul3A_67, %add3A_68 : i32
      %mul3A_70 = arith.constant 128 : i32
      %mul3A_71 = arith.muli %add3A_69, %mul3A_70 : i32
      %add3A_72 = arith.constant 32768 : i32
      %add3A_73 = arith.addi %add3A_72, %mul3A_71 : i32
      %dma_start3A_74 = tpu.memref_slice %arg6[%add3A_73] : memref<65536xf32, #tpu.memory_space<vmem>> -> memref<128xf32, #tpu.memory_space<vmem>>
      %dma_start3A_75 = tpu.memref_slice %arg5[%mul3A_71] : memref<32768xi32, #tpu.memory_space<vmem>> -> memref<128xi32, #tpu.memory_space<vmem>>
      %dma_start3A_76 = arith.constant 0 : i32
      %dma_start3A_77 = tpu.memref_slice %arg2[%dma_start3A_76] : memref<39845888xf32, #tpu.memory_space<hbm>> -> memref<39845888xf32, #tpu.memory_space<hbm>>
      tpu.enqueue_indirect_dma source(%dma_start3A_77 : memref<39845888xf32, #tpu.memory_space<hbm>>) target(%dma_start3A_74 : memref<128xf32, #tpu.memory_space<vmem>>) offsets(%dma_start3A_75 : memref<128xi32, #tpu.memory_space<vmem>>) semaphore(%arg7 : memref<!tpu.dma_semaphore, #tpu.memory_space<semaphore_mem>>)
      %mul3A_78 = arith.constant 8 : i32
      %mul3A_79 = arith.muli %scan3A_30, %mul3A_78 : i32
      %add3A_80 = arith.constant 4 : i32
      %add3A_81 = arith.addi %mul3A_79, %add3A_80 : i32
      %mul3A_82 = arith.constant 128 : i32
      %mul3A_83 = arith.muli %add3A_81, %mul3A_82 : i32
      %add3A_84 = arith.constant 32768 : i32
      %add3A_85 = arith.addi %add3A_84, %mul3A_83 : i32
      %dma_start3A_86 = tpu.memref_slice %arg6[%add3A_85] : memref<65536xf32, #tpu.memory_space<vmem>> -> memref<128xf32, #tpu.memory_space<vmem>>
      %dma_start3A_87 = tpu.memref_slice %arg5[%mul3A_83] : memref<32768xi32, #tpu.memory_space<vmem>> -> memref<128xi32, #tpu.memory_space<vmem>>
      %dma_start3A_88 = arith.constant 0 : i32
      %dma_start3A_89 = tpu.memref_slice %arg2[%dma_start3A_88] : memref<39845888xf32, #tpu.memory_space<hbm>> -> memref<39845888xf32, #tpu.memory_space<hbm>>
      tpu.enqueue_indirect_dma source(%dma_start3A_89 : memref<39845888xf32, #tpu.memory_space<hbm>>) target(%dma_start3A_86 : memref<128xf32, #tpu.memory_space<vmem>>) offsets(%dma_start3A_87 : memref<128xi32, #tpu.memory_space<vmem>>) semaphore(%arg7 : memref<!tpu.dma_semaphore, #tpu.memory_space<semaphore_mem>>)
      %mul3A_90 = arith.constant 8 : i32
      %mul3A_91 = arith.muli %scan3A_30, %mul3A_90 : i32
      %add3A_92 = arith.constant 5 : i32
      %add3A_93 = arith.addi %mul3A_91, %add3A_92 : i32
      %mul3A_94 = arith.constant 128 : i32
      %mul3A_95 = arith.muli %add3A_93, %mul3A_94 : i32
      %add3A_96 = arith.constant 32768 : i32
      %add3A_97 = arith.addi %add3A_96, %mul3A_95 : i32
      %dma_start3A_98 = tpu.memref_slice %arg6[%add3A_97] : memref<65536xf32, #tpu.memory_space<vmem>> -> memref<128xf32, #tpu.memory_space<vmem>>
      %dma_start3A_99 = tpu.memref_slice %arg5[%mul3A_95] : memref<32768xi32, #tpu.memory_space<vmem>> -> memref<128xi32, #tpu.memory_space<vmem>>
      %dma_start3A_100 = arith.constant 0 : i32
      %dma_start3A_101 = tpu.memref_slice %arg2[%dma_start3A_100] : memref<39845888xf32, #tpu.memory_space<hbm>> -> memref<39845888xf32, #tpu.memory_space<hbm>>
      tpu.enqueue_indirect_dma source(%dma_start3A_101 : memref<39845888xf32, #tpu.memory_space<hbm>>) target(%dma_start3A_98 : memref<128xf32, #tpu.memory_space<vmem>>) offsets(%dma_start3A_99 : memref<128xi32, #tpu.memory_space<vmem>>) semaphore(%arg7 : memref<!tpu.dma_semaphore, #tpu.memory_space<semaphore_mem>>)
      %mul3A_102 = arith.constant 8 : i32
      %mul3A_103 = arith.muli %scan3A_30, %mul3A_102 : i32
      %add3A_104 = arith.constant 6 : i32
      %add3A_105 = arith.addi %mul3A_103, %add3A_104 : i32
      %mul3A_106 = arith.constant 128 : i32
      %mul3A_107 = arith.muli %add3A_105, %mul3A_106 : i32
      %add3A_108 = arith.constant 32768 : i32
      %add3A_109 = arith.addi %add3A_108, %mul3A_107 : i32
      %dma_start3A_110 = tpu.memref_slice %arg6[%add3A_109] : memref<65536xf32, #tpu.memory_space<vmem>> -> memref<128xf32, #tpu.memory_space<vmem>>
      %dma_start3A_111 = tpu.memref_slice %arg5[%mul3A_107] : memref<32768xi32, #tpu.memory_space<vmem>> -> memref<128xi32, #tpu.memory_space<vmem>>
      %dma_start3A_112 = arith.constant 0 : i32
      %dma_start3A_113 = tpu.memref_slice %arg2[%dma_start3A_112] : memref<39845888xf32, #tpu.memory_space<hbm>> -> memref<39845888xf32, #tpu.memory_space<hbm>>
      tpu.enqueue_indirect_dma source(%dma_start3A_113 : memref<39845888xf32, #tpu.memory_space<hbm>>) target(%dma_start3A_110 : memref<128xf32, #tpu.memory_space<vmem>>) offsets(%dma_start3A_111 : memref<128xi32, #tpu.memory_space<vmem>>) semaphore(%arg7 : memref<!tpu.dma_semaphore, #tpu.memory_space<semaphore_mem>>)
      %mul3A_114 = arith.constant 8 : i32
      %mul3A_115 = arith.muli %scan3A_30, %mul3A_114 : i32
      %add3A_116 = arith.constant 7 : i32
      %add3A_117 = arith.addi %mul3A_115, %add3A_116 : i32
      %mul3A_118 = arith.constant 128 : i32
      %mul3A_119 = arith.muli %add3A_117, %mul3A_118 : i32
      %add3A_120 = arith.constant 32768 : i32
      %add3A_121 = arith.addi %add3A_120, %mul3A_119 : i32
      %dma_start3A_122 = tpu.memref_slice %arg6[%add3A_121] : memref<65536xf32, #tpu.memory_space<vmem>> -> memref<128xf32, #tpu.memory_space<vmem>>
      %dma_start3A_123 = tpu.memref_slice %arg5[%mul3A_119] : memref<32768xi32, #tpu.memory_space<vmem>> -> memref<128xi32, #tpu.memory_space<vmem>>
      %dma_start3A_124 = arith.constant 0 : i32
      %dma_start3A_125 = tpu.memref_slice %arg2[%dma_start3A_124] : memref<39845888xf32, #tpu.memory_space<hbm>> -> memref<39845888xf32, #tpu.memory_space<hbm>>
      tpu.enqueue_indirect_dma source(%dma_start3A_125 : memref<39845888xf32, #tpu.memory_space<hbm>>) target(%dma_start3A_122 : memref<128xf32, #tpu.memory_space<vmem>>) offsets(%dma_start3A_123 : memref<128xi32, #tpu.memory_space<vmem>>) semaphore(%arg7 : memref<!tpu.dma_semaphore, #tpu.memory_space<semaphore_mem>>)
      %dma_wait3A = tpu.memref_slice %arg6[%add3A_38] : memref<65536xf32, #tpu.memory_space<vmem>> -> memref<128xf32, #tpu.memory_space<vmem>>
      %dma_wait3A_126 = tpu.memref_slice %arg5[%mul3A_36] : memref<32768xi32, #tpu.memory_space<vmem>> -> memref<128xi32, #tpu.memory_space<vmem>>
      %dma_wait3A_127 = arith.constant 0 : i32
      %dma_wait3A_128 = tpu.memref_slice %arg2[%dma_wait3A_127] : memref<39845888xf32, #tpu.memory_space<hbm>> -> memref<39845888xf32, #tpu.memory_space<hbm>>
      tpu.wait_indirect_dma semaphore(%arg7 : memref<!tpu.dma_semaphore, #tpu.memory_space<semaphore_mem>>) src(%dma_wait3A_128 : memref<39845888xf32, #tpu.memory_space<hbm>>) dst(%dma_wait3A : memref<128xf32, #tpu.memory_space<vmem>>)
      %dma_wait3A_129 = tpu.memref_slice %arg6[%add3A_49] : memref<65536xf32, #tpu.memory_space<vmem>> -> memref<128xf32, #tpu.memory_space<vmem>>
      %dma_wait3A_130 = tpu.memref_slice %arg5[%mul3A_47] : memref<32768xi32, #tpu.memory_space<vmem>> -> memref<128xi32, #tpu.memory_space<vmem>>
      %dma_wait3A_131 = arith.constant 0 : i32
      %dma_wait3A_132 = tpu.memref_slice %arg2[%dma_wait3A_131] : memref<39845888xf32, #tpu.memory_space<hbm>> -> memref<39845888xf32, #tpu.memory_space<hbm>>
      tpu.wait_indirect_dma semaphore(%arg7 : memref<!tpu.dma_semaphore, #tpu.memory_space<semaphore_mem>>) src(%dma_wait3A_132 : memref<39845888xf32, #tpu.memory_space<hbm>>) dst(%dma_wait3A_129 : memref<128xf32, #tpu.memory_space<vmem>>)
      %dma_wait3A_133 = tpu.memref_slice %arg6[%add3A_61] : memref<65536xf32, #tpu.memory_space<vmem>> -> memref<128xf32, #tpu.memory_space<vmem>>
      %dma_wait3A_134 = tpu.memref_slice %arg5[%mul3A_59] : memref<32768xi32, #tpu.memory_space<vmem>> -> memref<128xi32, #tpu.memory_space<vmem>>
      %dma_wait3A_135 = arith.constant 0 : i32
      %dma_wait3A_136 = tpu.memref_slice %arg2[%dma_wait3A_135] : memref<39845888xf32, #tpu.memory_space<hbm>> -> memref<39845888xf32, #tpu.memory_space<hbm>>
      tpu.wait_indirect_dma semaphore(%arg7 : memref<!tpu.dma_semaphore, #tpu.memory_space<semaphore_mem>>) src(%dma_wait3A_136 : memref<39845888xf32, #tpu.memory_space<hbm>>) dst(%dma_wait3A_133 : memref<128xf32, #tpu.memory_space<vmem>>)
      %dma_wait3A_137 = tpu.memref_slice %arg6[%add3A_73] : memref<65536xf32, #tpu.memory_space<vmem>> -> memref<128xf32, #tpu.memory_space<vmem>>
      %dma_wait3A_138 = tpu.memref_slice %arg5[%mul3A_71] : memref<32768xi32, #tpu.memory_space<vmem>> -> memref<128xi32, #tpu.memory_space<vmem>>
      %dma_wait3A_139 = arith.constant 0 : i32
      %dma_wait3A_140 = tpu.memref_slice %arg2[%dma_wait3A_139] : memref<39845888xf32, #tpu.memory_space<hbm>> -> memref<39845888xf32, #tpu.memory_space<hbm>>
      tpu.wait_indirect_dma semaphore(%arg7 : memref<!tpu.dma_semaphore, #tpu.memory_space<semaphore_mem>>) src(%dma_wait3A_140 : memref<39845888xf32, #tpu.memory_space<hbm>>) dst(%dma_wait3A_137 : memref<128xf32, #tpu.memory_space<vmem>>)
      %dma_wait3A_141 = tpu.memref_slice %arg6[%add3A_85] : memref<65536xf32, #tpu.memory_space<vmem>> -> memref<128xf32, #tpu.memory_space<vmem>>
      %dma_wait3A_142 = tpu.memref_slice %arg5[%mul3A_83] : memref<32768xi32, #tpu.memory_space<vmem>> -> memref<128xi32, #tpu.memory_space<vmem>>
      %dma_wait3A_143 = arith.constant 0 : i32
      %dma_wait3A_144 = tpu.memref_slice %arg2[%dma_wait3A_143] : memref<39845888xf32, #tpu.memory_space<hbm>> -> memref<39845888xf32, #tpu.memory_space<hbm>>
      tpu.wait_indirect_dma semaphore(%arg7 : memref<!tpu.dma_semaphore, #tpu.memory_space<semaphore_mem>>) src(%dma_wait3A_144 : memref<39845888xf32, #tpu.memory_space<hbm>>) dst(%dma_wait3A_141 : memref<128xf32, #tpu.memory_space<vmem>>)
      %dma_wait3A_145 = tpu.memref_slice %arg6[%add3A_97] : memref<65536xf32, #tpu.memory_space<vmem>> -> memref<128xf32, #tpu.memory_space<vmem>>
      %dma_wait3A_146 = tpu.memref_slice %arg5[%mul3A_95] : memref<32768xi32, #tpu.memory_space<vmem>> -> memref<128xi32, #tpu.memory_space<vmem>>
      %dma_wait3A_147 = arith.constant 0 : i32
      %dma_wait3A_148 = tpu.memref_slice %arg2[%dma_wait3A_147] : memref<39845888xf32, #tpu.memory_space<hbm>> -> memref<39845888xf32, #tpu.memory_space<hbm>>
      tpu.wait_indirect_dma semaphore(%arg7 : memref<!tpu.dma_semaphore, #tpu.memory_space<semaphore_mem>>) src(%dma_wait3A_148 : memref<39845888xf32, #tpu.memory_space<hbm>>) dst(%dma_wait3A_145 : memref<128xf32, #tpu.memory_space<vmem>>)
      %dma_wait3A_149 = tpu.memref_slice %arg6[%add3A_109] : memref<65536xf32, #tpu.memory_space<vmem>> -> memref<128xf32, #tpu.memory_space<vmem>>
      %dma_wait3A_150 = tpu.memref_slice %arg5[%mul3A_107] : memref<32768xi32, #tpu.memory_space<vmem>> -> memref<128xi32, #tpu.memory_space<vmem>>
      %dma_wait3A_151 = arith.constant 0 : i32
      %dma_wait3A_152 = tpu.memref_slice %arg2[%dma_wait3A_151] : memref<39845888xf32, #tpu.memory_space<hbm>> -> memref<39845888xf32, #tpu.memory_space<hbm>>
      tpu.wait_indirect_dma semaphore(%arg7 : memref<!tpu.dma_semaphore, #tpu.memory_space<semaphore_mem>>) src(%dma_wait3A_152 : memref<39845888xf32, #tpu.memory_space<hbm>>) dst(%dma_wait3A_149 : memref<128xf32, #tpu.memory_space<vmem>>)
      %dma_wait3A_153 = tpu.memref_slice %arg6[%add3A_121] : memref<65536xf32, #tpu.memory_space<vmem>> -> memref<128xf32, #tpu.memory_space<vmem>>
      %dma_wait3A_154 = tpu.memref_slice %arg5[%mul3A_119] : memref<32768xi32, #tpu.memory_space<vmem>> -> memref<128xi32, #tpu.memory_space<vmem>>
      %dma_wait3A_155 = arith.constant 0 : i32
      %dma_wait3A_156 = tpu.memref_slice %arg2[%dma_wait3A_155] : memref<39845888xf32, #tpu.memory_space<hbm>> -> memref<39845888xf32, #tpu.memory_space<hbm>>
      tpu.wait_indirect_dma semaphore(%arg7 : memref<!tpu.dma_semaphore, #tpu.memory_space<semaphore_mem>>) src(%dma_wait3A_156 : memref<39845888xf32, #tpu.memory_space<hbm>>) dst(%dma_wait3A_153 : memref<128xf32, #tpu.memory_space<vmem>>)
    }
    %scan3A_29 = arith.constant 32 : i32
    "tpu.region"() ({
      %run_scoped3A = tpu.sem_alloc : memref<!tpu.dma_semaphore, #tpu.memory_space<semaphore_mem>>
      %dma_start3A = tpu.memref_slice %arg4[%mul3A_2] : memref<2097152xf32, #tpu.memory_space<hbm>> -> memref<65536xf32, #tpu.memory_space<hbm>>
      %dma_start3A_30 = tpu.memref_slice %arg4[%mul3A_2] : memref<2097152xf32, #tpu.memory_space<hbm>> -> memref<65536xf32, #tpu.memory_space<hbm>>
      tpu.enqueue_dma source(%arg6 : memref<65536xf32, #tpu.memory_space<vmem>>) target(%dma_start3A_30 : memref<65536xf32, #tpu.memory_space<hbm>>) target_semaphore(%run_scoped3A : memref<!tpu.dma_semaphore, #tpu.memory_space<semaphore_mem>>)
      %dma_wait3A = tpu.memref_slice %arg4[%mul3A_2] : memref<2097152xf32, #tpu.memory_space<hbm>> -> memref<65536xf32, #tpu.memory_space<hbm>>
      %dma_wait3A_31 = tpu.memref_slice %arg4[%mul3A_2] : memref<2097152xf32, #tpu.memory_space<hbm>> -> memref<65536xf32, #tpu.memory_space<hbm>>
      tpu.wait_dma2 semaphore(%run_scoped3A : memref<!tpu.dma_semaphore, #tpu.memory_space<semaphore_mem>>) src(%arg6 : memref<65536xf32, #tpu.memory_space<vmem>>) dst(%dma_wait3A_31 : memref<65536xf32, #tpu.memory_space<hbm>>)
      tpu.yield
    }) : () -> ()
    return
  }
}

module attributes {stable_mosaic.version = 14 : i64} {
  func.func @_tc_body(%arg0: i32, %arg1: i32, %arg2: memref<256x2048xf32, #tpu.memory_space<vmem>>, %arg3: memref<1x1xf32, #tpu.memory_space<smem>>, %arg4: memref<1xi32, #tpu.memory_space<smem>>, %arg5: memref<1xi32, #tpu.memory_space<smem>>, %arg6: memref<1xi32, #tpu.memory_space<smem>>, %arg7: memref<1xf32, #tpu.memory_space<smem>>) attributes {dimension_semantics = [#tpu.dimension_semantics<arbitrary>, #tpu.dimension_semantics<arbitrary>], iteration_bounds = array<i64: 32, 4>, scalar_prefetch = 0 : i64, scratch_operands = 4 : i64, tpu.core_type = #tpu.core_type<tc>, window_params = [{transform_indices = @transform_0, window_bounds = array<i64: 256, 2048>}, {transform_indices = @transform_1, window_bounds = array<i64: 1, 1>}]} {
    %eq3A = arith.constant 0 : i32
    %eq3A_0 = arith.cmpi eq, %arg0, %eq3A : i32
    %eq3A_1 = arith.constant 0 : i32
    %eq3A_2 = arith.cmpi eq, %arg1, %eq3A_1 : i32
    %and3A = arith.andi %eq3A_0, %eq3A_2 : i1
    %convert_element_type3A = arith.extui %and3A : i1 to i32
    %cond3A = arith.constant 0 : i32
    %cond3A_3 = arith.cmpi ne, %convert_element_type3A, %cond3A : i32
    scf.if %cond3A_3 {
      %swap3A = arith.constant 0 : i32
      %swap3A_15 = arith.constant 0 : index
      %swap3A_16 = memref.load %arg4[%swap3A_15] : memref<1xi32, #tpu.memory_space<smem>>
      memref.store %swap3A, %arg4[%swap3A_15] : memref<1xi32, #tpu.memory_space<smem>>
      %swap3A_17 = arith.constant 629145 : i32
      %swap3A_18 = arith.constant 0 : index
      %swap3A_19 = memref.load %arg5[%swap3A_18] : memref<1xi32, #tpu.memory_space<smem>>
      memref.store %swap3A_17, %arg5[%swap3A_18] : memref<1xi32, #tpu.memory_space<smem>>
      %swap3A_20 = arith.constant 0 : i32
      %swap3A_21 = arith.constant 0 : index
      %swap3A_22 = memref.load %arg6[%swap3A_21] : memref<1xi32, #tpu.memory_space<smem>>
      memref.store %swap3A_20, %arg6[%swap3A_21] : memref<1xi32, #tpu.memory_space<smem>>
      %swap3A_23 = arith.constant 0.000000e+00 : f32
      %swap3A_24 = arith.constant 0 : index
      %swap3A_25 = memref.load %arg7[%swap3A_24] : memref<1xf32, #tpu.memory_space<smem>>
      memref.store %swap3A_23, %arg7[%swap3A_24] : memref<1xf32, #tpu.memory_space<smem>>
    } else {
    }
    %get3A = arith.constant 0 : index
    %get3A_4 = arith.constant 0 : index
    %get3A_5 = vector.load %arg2[%get3A, %get3A_4] : memref<256x2048xf32, #tpu.memory_space<vmem>>, vector<256x2048xf32>
    %bitcast_convert_type3A = tpu.bitcast %get3A_5 : vector<256x2048xf32> -> vector<256x2048xi32>
    %lt3A = arith.constant 31 : i32
    %lt3A_6 = arith.cmpi slt, %arg0, %lt3A : i32
    %convert_element_type3A_7 = arith.extui %lt3A_6 : i1 to i32
    %cond3A_8 = arith.constant 0 : i32
    %cond3A_9 = arith.cmpi ne, %convert_element_type3A_7, %cond3A_8 : i32
    scf.if %cond3A_9 {
      %sub3A = arith.constant 30 : i32
      %sub3A_15 = arith.subi %sub3A, %arg0 : i32
      %get3A_16 = arith.constant 0 : index
      %get3A_17 = memref.load %arg4[%get3A_16] : memref<1xi32, #tpu.memory_space<smem>>
      %add3A = arith.constant 1 : i32
      %add3A_18 = arith.addi %sub3A_15, %add3A : i32
      %shift_right_arithmetic3A = vector.broadcast %add3A_18 : i32 to vector<256x2048xi32>
      %shift_right_arithmetic3A_19 = arith.shrsi %bitcast_convert_type3A, %shift_right_arithmetic3A : vector<256x2048xi32>
      %add3A_20 = arith.constant 1 : i32
      %add3A_21 = arith.addi %sub3A_15, %add3A_20 : i32
      %shift_right_arithmetic3A_22 = arith.shrsi %get3A_17, %add3A_21 : i32
      %eq3A_23 = vector.broadcast %shift_right_arithmetic3A_22 : i32 to vector<256x2048xi32>
      %eq3A_24 = arith.cmpi eq, %shift_right_arithmetic3A_19, %eq3A_23 : vector<256x2048xi32>
      %shift_right_arithmetic3A_25 = vector.broadcast %sub3A_15 : i32 to vector<256x2048xi32>
      %shift_right_arithmetic3A_26 = arith.shrsi %bitcast_convert_type3A, %shift_right_arithmetic3A_25 : vector<256x2048xi32>
      %and3A_27 = arith.constant 1 : i32
      %and3A_28 = vector.broadcast %and3A_27 : i32 to vector<256x2048xi32>
      %and3A_29 = arith.andi %shift_right_arithmetic3A_26, %and3A_28 : vector<256x2048xi32>
      %eq3A_30 = arith.constant 0 : i32
      %eq3A_31 = vector.broadcast %eq3A_30 : i32 to vector<256x2048xi32>
      %eq3A_32 = arith.cmpi eq, %and3A_29, %eq3A_31 : vector<256x2048xi32>
      %and3A_33 = arith.andi %eq3A_24, %eq3A_32 : vector<256x2048xi1>
      %convert_element_type3A_34 = arith.extui %and3A_33 : vector<256x2048xi1> to vector<256x2048xi32>
      %reduce_sum3A = vector.shape_cast %convert_element_type3A_34 : vector<256x2048xi32> to vector<1x256x2048xi32>
      %reduce_sum3A_35 = arith.constant dense<0> : vector<1xi32>
      %reduce_sum3A_36 = vector.multi_reduction <add>, %reduce_sum3A, %reduce_sum3A_35 [1, 2] : vector<1x256x2048xi32> to vector<1xi32>
      %reduce_sum3A_37 = vector.shape_cast %reduce_sum3A_36 : vector<1xi32> to vector<1x1x1xi32>
      %reduce_sum3A_38 = vector.extract %reduce_sum3A_37[0, 0, 0] : i32 from vector<1x1x1xi32>
      %get3A_39 = arith.constant 0 : index
      %get3A_40 = memref.load %arg6[%get3A_39] : memref<1xi32, #tpu.memory_space<smem>>
      %add3A_41 = arith.addi %get3A_40, %reduce_sum3A_38 : i32
      %swap3A = arith.constant 0 : index
      %swap3A_42 = memref.load %arg6[%swap3A] : memref<1xi32, #tpu.memory_space<smem>>
      memref.store %add3A_41, %arg6[%swap3A] : memref<1xi32, #tpu.memory_space<smem>>
      %eq3A_43 = arith.constant 3 : i32
      %eq3A_44 = arith.cmpi eq, %arg1, %eq3A_43 : i32
      %convert_element_type3A_45 = arith.extui %eq3A_44 : i1 to i32
      %cond3A_46 = arith.constant 0 : i32
      %cond3A_47 = arith.cmpi ne, %convert_element_type3A_45, %cond3A_46 : i32
      scf.if %cond3A_47 {
        %get3A_48 = arith.constant 0 : index
        %get3A_49 = memref.load %arg6[%get3A_48] : memref<1xi32, #tpu.memory_space<smem>>
        %get3A_50 = arith.constant 0 : index
        %get3A_51 = memref.load %arg5[%get3A_50] : memref<1xi32, #tpu.memory_space<smem>>
        %gt3A = arith.cmpi sgt, %get3A_51, %get3A_49 : i32
        %shift_left3A = arith.constant 1 : i32
        %shift_left3A_52 = arith.shli %shift_left3A, %sub3A_15 : i32
        %or3A = arith.ori %get3A_17, %shift_left3A_52 : i32
        %select_n3A = arith.select %gt3A, %or3A, %get3A_17 : i32
        %swap3A_53 = arith.constant 0 : index
        %swap3A_54 = memref.load %arg4[%swap3A_53] : memref<1xi32, #tpu.memory_space<smem>>
        memref.store %select_n3A, %arg4[%swap3A_53] : memref<1xi32, #tpu.memory_space<smem>>
        %get3A_55 = arith.constant 0 : index
        %get3A_56 = memref.load %arg5[%get3A_55] : memref<1xi32, #tpu.memory_space<smem>>
        %sub3A_57 = arith.subi %get3A_56, %get3A_49 : i32
        %get3A_58 = arith.constant 0 : index
        %get3A_59 = memref.load %arg5[%get3A_58] : memref<1xi32, #tpu.memory_space<smem>>
        %select_n3A_60 = arith.select %gt3A, %sub3A_57, %get3A_59 : i32
        %swap3A_61 = arith.constant 0 : index
        %swap3A_62 = memref.load %arg5[%swap3A_61] : memref<1xi32, #tpu.memory_space<smem>>
        memref.store %select_n3A_60, %arg5[%swap3A_61] : memref<1xi32, #tpu.memory_space<smem>>
        %swap3A_63 = arith.constant 0 : i32
        %swap3A_64 = arith.constant 0 : index
        %swap3A_65 = memref.load %arg6[%swap3A_64] : memref<1xi32, #tpu.memory_space<smem>>
        memref.store %swap3A_63, %arg6[%swap3A_64] : memref<1xi32, #tpu.memory_space<smem>>
      } else {
      }
    } else {
    }
    %eq3A_10 = arith.constant 31 : i32
    %eq3A_11 = arith.cmpi eq, %arg0, %eq3A_10 : i32
    %convert_element_type3A_12 = arith.extui %eq3A_11 : i1 to i32
    %cond3A_13 = arith.constant 0 : i32
    %cond3A_14 = arith.cmpi ne, %convert_element_type3A_12, %cond3A_13 : i32
    scf.if %cond3A_14 {
      %get3A_15 = arith.constant 0 : index
      %get3A_16 = memref.load %arg4[%get3A_15] : memref<1xi32, #tpu.memory_space<smem>>
      %lt3A_17 = vector.broadcast %get3A_16 : i32 to vector<256x2048xi32>
      %lt3A_18 = arith.cmpi slt, %bitcast_convert_type3A, %lt3A_17 : vector<256x2048xi32>
      %add3A = arith.constant 9.99999971E-10 : f32
      %add3A_19 = vector.broadcast %add3A : f32 to vector<256x2048xf32>
      %add3A_20 = arith.addf %get3A_5, %add3A_19 : vector<256x2048xf32>
      %log3A = math.log %add3A_20 : vector<256x2048xf32>
      %neg3A = arith.constant 0.000000e+00 : f32
      %neg3A_21 = vector.broadcast %neg3A : f32 to vector<256x2048xf32>
      %neg3A_22 = arith.subf %neg3A_21, %log3A : vector<256x2048xf32>
      %jit3A = arith.constant 0.000000e+00 : f32
      %broadcast_in_dim3A = vector.broadcast %jit3A : f32 to vector<256x2048xf32>
      %select_n3A = arith.select %lt3A_18, %neg3A_22, %broadcast_in_dim3A : vector<256x2048xi1>, vector<256x2048xf32>
      %reduce_sum3A = vector.shape_cast %select_n3A : vector<256x2048xf32> to vector<1x256x2048xf32>
      %reduce_sum3A_23 = arith.constant dense<0.000000e+00> : vector<1xf32>
      %reduce_sum3A_24 = vector.multi_reduction <add>, %reduce_sum3A, %reduce_sum3A_23 [1, 2] : vector<1x256x2048xf32> to vector<1xf32>
      %reduce_sum3A_25 = vector.shape_cast %reduce_sum3A_24 : vector<1xf32> to vector<1x1x1xf32>
      %reduce_sum3A_26 = vector.extract %reduce_sum3A_25[0, 0, 0] : f32 from vector<1x1x1xf32>
      %get3A_27 = arith.constant 0 : index
      %get3A_28 = memref.load %arg7[%get3A_27] : memref<1xf32, #tpu.memory_space<smem>>
      %add3A_29 = arith.addf %get3A_28, %reduce_sum3A_26 : f32
      %swap3A = arith.constant 0 : index
      %swap3A_30 = memref.load %arg7[%swap3A] : memref<1xf32, #tpu.memory_space<smem>>
      memref.store %add3A_29, %arg7[%swap3A] : memref<1xf32, #tpu.memory_space<smem>>
      %eq3A_31 = arith.constant 3 : i32
      %eq3A_32 = arith.cmpi eq, %arg1, %eq3A_31 : i32
      %convert_element_type3A_33 = arith.extui %eq3A_32 : i1 to i32
      %cond3A_34 = arith.constant 0 : i32
      %cond3A_35 = arith.cmpi ne, %convert_element_type3A_33, %cond3A_34 : i32
      scf.if %cond3A_35 {
        %broadcast_in_dim3A_36 = vector.broadcast %get3A_16 : i32 to vector<1x1xi32>
        %bitcast_convert_type3A_37 = tpu.bitcast %broadcast_in_dim3A_36 : vector<1x1xi32> -> vector<1x1xf32>
        %add3A_38 = arith.constant 9.99999971E-10 : f32
        %add3A_39 = vector.broadcast %add3A_38 : f32 to vector<1x1xf32>
        %add3A_40 = arith.addf %bitcast_convert_type3A_37, %add3A_39 : vector<1x1xf32>
        %log3A_41 = math.log %add3A_40 : vector<1x1xf32>
        %squeeze3A = vector.extract %log3A_41[0, 0] : f32 from vector<1x1xf32>
        %neg3A_42 = arith.constant 0.000000e+00 : f32
        %neg3A_43 = arith.subf %neg3A_42, %squeeze3A : f32
        %get3A_44 = arith.constant 0 : index
        %get3A_45 = memref.load %arg5[%get3A_44] : memref<1xi32, #tpu.memory_space<smem>>
        %convert_element_type3A_46 = arith.sitofp %get3A_45 : i32 to f32
        %get3A_47 = arith.constant 0 : index
        %get3A_48 = memref.load %arg7[%get3A_47] : memref<1xf32, #tpu.memory_space<smem>>
        %mul3A = arith.mulf %convert_element_type3A_46, %neg3A_43 : f32
        %add3A_49 = arith.addf %get3A_48, %mul3A : f32
        %div3A = arith.constant 6.291450e+05 : f32
        %div3A_50 = arith.divf %add3A_49, %div3A : f32
        %swap3A_51 = arith.constant 0 : index
        %swap3A_52 = arith.constant 0 : index
        %swap3A_53 = memref.load %arg3[%swap3A_51, %swap3A_52] : memref<1x1xf32, #tpu.memory_space<smem>>
        memref.store %div3A_50, %arg3[%swap3A_51, %swap3A_52] : memref<1x1xf32, #tpu.memory_space<smem>>
      } else {
      }
    } else {
    }
    return
  }
  func.func @transform_0(%arg0: i32, %arg1: i32) -> (i32, i32) {
    %c0_i32 = arith.constant 0 : i32
    %c0_i32_0 = arith.constant 0 : i32
    return %arg1, %c0_i32 : i32, i32
  }
  func.func @transform_1(%arg0: i32, %arg1: i32) -> (i32, i32) {
    %c0_i32 = arith.constant 0 : i32
    %c0_i32_0 = arith.constant 0 : i32
    %c0_i32_1 = arith.constant 0 : i32
    return %c0_i32, %c0_i32_0 : i32, i32
  }
}

</mosaic_0001>

<sc_bundles>
// kernel: kernel.4.cloned.1.call-start
scs
__scs_entry_jumppad:
0x0: {  	(pc) =	sbr.rel $0x88, $3  }
0x1: {  	(tag) =	ssettag $0x0;
	lr =	simm.s32 $0x1  }
0x2: {  	[smem:$0x3F9F] =	sst lr;
	_ =	strace $0xD0000000  }
0x3: {  	_ = 	snop  }
0x4: {  	_ = 	snop  }
0x5: {  	_ = 	snop  }
0x6: {  	_ = 	snop  }
0x7: {  	_ = 	snop  }
__scs_overlays_trampoline_lowered:
0x8: {  	[smem:$0x3FAE] =	sst s0  }
0x9: {  	[smem:$0x3FAF] =	sst s1  }
0xa: {  	[smem:$0x3FB0] =	sst s2  }
0xb: {  	[smem:$0x3FB1] =	sst s3  }
0xc: {  	[smem:$0x3FB2] =	sst s4  }
0xd: {  	[smem:$0x3FB3] =	sst s5  }
0xe: {  	[smem:$0x3FB4] =	sst s6  }
0xf: {  	[smem:$0x3FB5] =	sst s7  }
0x10: {  	[smem:$0x3FB6] =	sst s8  }
0x11: {  	[smem:$0x3FB7] =	sst s9;
	s0 =	simm.s32 @!p0 $0x0  }
0x12: {  	s1 =	sld [smem:$0x3F9D];
	s0 =	simm.s32 @p0 $0x1  }
0x13: {  	[smem:$0x3FB8] =	sst s0;
	s0 =	simm.s32 @!p1 $0x0  }
0x14: {  	s2 =	sld [smem:$0x3F9C];
	s0 =	simm.s32 @p1 $0x1  }
0x15: {  	[smem:$0x3FB9] =	sst s0;
	s0 =	simm.s32 @!p2 $0x0  }
0x16: {  	s3 =	sld [smem:$0x3FDB];
	s0 =	simm.s32 @p2 $0x1  }
0x17: {  	s4 =	simm.s32 $0x1BF5;
	[smem:$0x3FBB] =	sst s0  }
0x18: {  	s0 =	sld [smem:$0x3F9E];
	_ =	swait.ge [sflag:s4], $0x0  }
0x19: {  	s7 =	sld [smem:$0x3F9F]  }
0x1a: {  	s8 =	sadd.s32 $0xFFFFE003, lr  }
0x1b: {  	s9 =	sadd.s32 $0xFFFFFEF7, lr;
	s5 =	simm.s32 $0xFFFFFFFF;
	p2 =	slt.u32 s8, $0xFFFFF086  }
0x1c: {  	p1 =	slt.u32 s9, $0xF7A;
	s5 =	simm.s32 @!p2 $0x0  }
0x1d: {  	s5 =	simm.s32 @p1 $0x1;
	p0 =	seq.s32 s7, s2  }
0x1e: {  	s7 =	smul.u32 @!p0 $0xF7A, s2;
	p2 =	seq.s32 @!p0 s5, $0x0  }
0x1f: {  	s9 =	smul.u32 $0xF7A, s1;
	s8 =	simm.s32 @!p0 $0x1BF5;
	p2 =	por !p2, p0  }
0x20: {  	[sflag:s8] =	ssyncset.s32 @!p0 $0xFFFFF086;
	s6 =	sadd.s32 @!p0 s3, s7;
	s7 =	simm.s32 @!p0 $0x108  }
0x21: {  	s3 =	sadd.s32 s3, s9;
	s6 =	sadd.s32 @!p0 $0x88, s6;
	s7 =	simm.s32 @p2 $0x1082  }
0x22: {  	[simem:s7], [sflag:s8] =	dma.local @!p0 [hbm:s6], $0xF7A  }
0x23: {  	s9 =	sor.u32 $0xD0000000, s2;
	s6 =	simm.s32 $0x108;
	_ =	swait.ge @!p0 [sflag:s8], $0x0  }
0x24: {  	s3 =	sadd.s32 $0x88, s3;
	s6 =	simm.s32 @!p1 $0x1082;
	[sflag:s4] =	ssyncset.s32 $0xFFFFF086  }
0x25: {  	[simem:s6], [sflag:s4] =	dma.local [hbm:s3], $0xF7A  }
0x26: {  	[smem:$0x3F9F] =	sst s1;
	(tag) =	ssettag s2;
	_ =	strace s9  }
0x27: {  	s1 =	sld [smem:$0x3FAF]  }
0x28: {  	s2 =	sld [smem:$0x3FB0]  }
0x29: {  	s4 =	sld [smem:$0x3FB2]  }
0x2a: {  	p0 =	seq.s32 s5, $0x0;
	s5 =	sld [smem:$0x3FB3]  }
0x2b: {  	s6 =	sld [smem:$0x3FB4]  }
0x2c: {  	s7 =	sld [smem:$0x3FB5]  }
0x2d: {  	s3 =	simm.s32 $0x108;
	s8 =	sld [smem:$0x3FB6]  }
0x2e: {  	s3 =	simm.s32 @!p0 $0x1082;
	s9 =	sld [smem:$0x3FB7]  }
0x2f: {  	lr =	sadd.s32 s0, s3;
	s0 =	sld [smem:$0x3FAE]  }
0x30: {  	s3 =	sld [smem:$0x3FB1]  }
0x31: {  	[smem:$0x3FBA] =	sst s10  }
0x32: {  	s10 =	sld [smem:$0x3FB8];
	_ =	sdelay $0x3  }
0x33: {  	p0 =	seq.s32 s10, $0x1;
	s10 =	sld [smem:$0x3FBA];
	_ =	sdelay $0x3  }
0x34: {  	[smem:$0x3FBA] =	sst s10  }
0x35: {  	s10 =	sld [smem:$0x3FB9];
	_ =	sdelay $0x3  }
0x36: {  	p1 =	seq.s32 s10, $0x1;
	s10 =	sld [smem:$0x3FBA];
	_ =	sdelay $0x3  }
0x37: {  	[smem:$0x3FBA] =	sst s10  }
0x38: {  	s10 =	sld [smem:$0x3FBB]  }
0x39: {  	_ = 	snop;
	(pc) =	sbr.ind lr, $3  }
0x3a: {  	_ = 	snop  }
0x3b: {  	_ = 	snop  }
0x3c: {  	p2 =	seq.s32 s10, $0x1;
	s10 =	sld [smem:$0x3FBA]  }
0x3d: {  	_ =	shalt  }
0x3e: {  	_ =	shalt  }
0x3f: {  	_ =	shalt  }
0x40: {  	_ =	shalt  }
0x41: {  	_ =	shalt  }
0x42: {  	_ =	shalt  }
0x43: {  	_ =	shalt  }
0x44: {  	_ =	shalt  }
0x45: {  	_ =	shalt  }
0x46: {  	_ =	shalt  }
0x47: {  	_ =	shalt  }
0x48: {  	_ =	shalt  }
0x49: {  	_ =	shalt  }
0x4a: {  	_ =	shalt  }
0x4b: {  	_ =	shalt  }
0x4c: {  	_ =	shalt  }
0x4d: {  	_ =	shalt  }
0x4e: {  	_ =	shalt  }
0x4f: {  	_ =	shalt  }
0x50: {  	_ =	shalt  }
0x51: {  	_ =	shalt  }
0x52: {  	_ =	shalt  }
0x53: {  	_ =	shalt  }
0x54: {  	_ =	shalt  }
0x55: {  	_ =	shalt  }
0x56: {  	_ =	shalt  }
0x57: {  	_ =	shalt  }
0x58: {  	_ =	shalt  }
0x59: {  	_ =	shalt  }
0x5a: {  	_ =	shalt  }
0x5b: {  	_ =	shalt  }
0x5c: {  	_ =	shalt  }
0x5d: {  	_ =	shalt  }
0x5e: {  	_ =	shalt  }
0x5f: {  	_ =	shalt  }
0x60: {  	_ =	shalt  }
0x61: {  	_ =	shalt  }
0x62: {  	_ =	shalt  }
0x63: {  	_ =	shalt  }
0x64: {  	_ =	shalt  }
0x65: {  	_ =	shalt  }
0x66: {  	_ =	shalt  }
0x67: {  	_ =	shalt  }
0x68: {  	_ =	shalt  }
0x69: {  	_ =	shalt  }
0x6a: {  	_ =	shalt  }
0x6b: {  	_ =	shalt  }
0x6c: {  	_ =	shalt  }
0x6d: {  	_ =	shalt  }
0x6e: {  	_ =	shalt  }
0x6f: {  	_ =	shalt  }
0x70: {  	_ =	shalt  }
0x71: {  	_ =	shalt  }
0x72: {  	_ =	shalt  }
0x73: {  	_ =	shalt  }
0x74: {  	_ =	shalt  }
0x75: {  	_ =	shalt  }
0x76: {  	_ =	shalt  }
0x77: {  	_ =	shalt  }
0x78: {  	_ =	shalt  }
0x79: {  	_ =	shalt  }
0x7a: {  	_ =	shalt  }
0x7b: {  	_ =	shalt  }
0x7c: {  	_ =	shalt  }
0x7d: {  	_ =	shalt  }
0x7e: {  	_ =	shalt  }
0x7f: {  	_ =	shalt  }
0x80: {  	_ =	shalt  }
0x81: {  	_ =	shalt  }
0x82: {  	_ =	shalt  }
0x83: {  	_ =	shalt  }
0x84: {  	_ =	shalt  }
0x85: {  	_ =	shalt  }
0x86: {  	_ =	shalt  }
0x87: {  	_ =	shalt  }
.Lfunc_end0:
.L_simem_size_0:
called_computation.1_lowered:
.L_overlay_start_0:
0x88: {  	s2 =	sld [smem:$0x3FD9]  }
0x89: {  	s3 =	sld [smem:$0x3FFE];
	_ =	sdelay $0x1  }
0x8a: {  	s1 =	srdreg.scid  }
0x8b: {  	s0 =	sand.u32 $0x1, s1  }
0x8c: {  	s16 =	sshll.u32 s0, $0xA;
	s2 =	sadd.s32 s3, s2  }
0x8d: {  	s2 =	sadd.s32 s2, s16  }
0x8e: {  	[smem:$0x3FC6] =	sst s2  }
0x8f: {  	_ = 	snop  }
0x90: {  	(tm) =	ssettm $0x1  }
0x91: {  	s17 =	sld [smem:$0x3FFB];
	_ =	sdelay $0x3  }
0x92: {  	_ =	strace s17  }
0x93: {  	s2 =	sld [smem:$0x3FFC];
	_ =	sdelay $0x3  }
0x94: {  	_ =	strace s2  }
0x95: {  	s2 =	sld [smem:$0x3FFD];
	_ =	sdelay $0x3  }
0x96: {  	_ =	strace s2  }
0x97: {  	_ =	strace $0x8FFFFFFF  }
0x98: {  	s18 =	sld [smem:$0x3FDB];
	_ =	sdelay $0x1  }
0x99: {  	s19 =	simm.s32 $_scs_section_size  }
0x9a: {  	s4 =	simm.s32 $_size__tile_overlayer_lowered;
	s5 =	simm.s32 $_tile_overlayer_lowered  }
0x9b: {  	s22 =	simm.s32 $0x1BFF;
	s21 =	sshll.u32 s5, $0x1;
	s2 =	sadd.s32 s19, s18  }
0x9c: {  	s6 =	simm.s32 $0x0;
	s20 =	sshll.u32 s4, $0x1;
	s4 =	sadd.s32 s21, s2  }
0x9d: {  	[timem:s6], [sflag:s22] =	dma.local [hbm:s4], s20  }
0x9e: {  	_ =	swait.ge [sflag:s22], s20  }
0x9f: {  	s3 =	ssub.s32 $0x0, s20;
	[sflag:s22] =	ssyncset.done $0x0  }
0xa0: {  	[sflag:s22] =	ssyncadd.s32 s3;
	_ =	sdelay $0x1  }
0xa1: {  	s23 =	simm.s32 $0x1B8B  }
0xa2: {  	_ =	swait.ge [sflag:s23], $0x1  }
0xa3: {  	[sflag:s23] =	ssyncset.done $0x0  }
0xa4: {  	s25 =	simm.s32 $0x1B8E;
	s24 =	sld [smem:$0x3FFE];
	[sflag:s23] =	ssyncadd.s32 $0xFFFFFFFF  }
0xa5: {  	s26 =	simm.s32 $execute0_lowered;
	[smem:$0x3FD2] =	sst s25  }
0xa6: {  	s4 =	sshll.u32 s26, $0x1;
	_ =	strace $0x80000049;
	[dreg:$0x1] =	wrdreg $0xFFFFFFFF  }
0xa7: {  	s28 =	simm.s32 $_size_execute0_lowered;
	s2 =	sadd.s32 s2, s4;
	[dreg:$0x0] =	wrdreg $0x0  }
0xa8: {  	s4 =	sshll.u32 s28, $0x1;
	[dreg:$0x2] =	wrdreg s2  }
0xa9: {  	[dreg:$0x3] =	wrdreg s4  }
0xaa: {  	[dreg:$0x4] =	wrdreg $0xC0  }
0xab: {  	_ =	task [dreg:s6], $0x5FFFF  }
0xac: {  	[dreg:$0x1] =	wrdreg $0xFFFFFFFF  }
0xad: {  	[dreg:$0x0] =	wrdreg $0x60  }
0xae: {  	[dreg:$0x2] =	wrdreg s24  }
0xaf: {  	[dreg:$0x3] =	wrdreg $0x9  }
0xb0: {  	_ =	task.clear_ibuf [dreg:s6], $0x4FFFF;
	_ =	strace $0x90000049  }
0xb1: {  	s29 =	simm.s32 $0x9;
	_ =	strace $0x8000004B  }
0xb2: {  	_ =	swait.ge [sflag:s29], $0x1  }
0xb3: {  	[sflag:s29] =	ssyncadd.s32 $0xFFFFFFFF  }
0xb4: {  	_ =	strace $0x9000004B  }
0xb5: {  	_ =	sfence  }
0xb6: {  	s30 =	sld [smem:$0x0];
	_ =	sdelay $0x2  }
0xb7: {  	s31 =	sshll.u32 s1, $0xD;
	s1 =	sshrl.u32 s1, $0x2  }
0xb8: {  	s3 =	sand.u32 $0x4000, s31;
	s1 =	sadd.s32 s1, s30  }
0xb9: {  	s0 =	sor.u32 s3, s0;
	s1 =	sshll.u32 s1, $0x11  }
0xba: {  	s0 =	sor.u32 s1, s0  }
0xbb: {  	s0 =	sadd.s32 $0x8F2B, s0  }
0xbc: {  	[sflag:s0] =	ssyncadd.remote.s32 $0x1  }
0xbd: {  	_ =	sfence.sel $0xFFFF  }
0xbe: {  	[dreg:$0x0] =	wrdreg $0xFFFFFFFF;
	(pc) =	sbr.abs _section_cstart, $3  }
0xbf: {  	[dreg:$0x1] =	wrdreg $0xFFFFFFFF  }
0xc0: {  	_ =	task.clear_ibuf [dreg:s6], $0x2FFFF;
	_ =	strace $0x9FFFFFFF  }
0xc1: {  	(tm) =	ssettm $0x7FFFFFFF  }
tec
execute0_lowered:
.L_overlay_start_1:
0x0: {  	(tag) =	ssettag $0x1  }
0x1: {  	s6 =	rddreg [dreg:$0x0]  }
0x2: {  	s0 =	rddreg [dreg:$0x1]  }
0x3: {  	s2 =	simm.s32 $0x0;
	s3 =	srdreg.scid;
	s1 =	stileid.u32  }
0x4: {  	s12 =	simm.s32 $0x1;
	s13 =	simm.s32 $0x8000;
	s14 =	simm.s32 $0x0  }
0x5: {  	[smem:$0x7FF] =	sst s2;
	s5 =	sand.u32 $0x1, s3;
	s3 =	sadd.s32 $0xA00, s6  }
0x6: {  	s4 =	sshll.u32 s1, $0x11;
	s8 =	sadd.s32 $0x4C0A00, s6;
	s7 =	sshll.u32 s5, $0x10  }
0x7: {  	_ =	strace $0x8000004A;
	s30 =	ssub.s32 $0x2, s5;
	s4 =	sor.u32 s7, s4  }
0x8: {  	s10 =	sshrl.u32 s30, $0x1;
	s9 =	sshrl.u32 s4, $0x3;
	s5 =	sor.u32 $0x8000, s4  }
0x9: {  	s10 =	ssub.s32 s30, s10;
	s11 =	sadd.s32 s9, s6;
	s31 =	sshrl.u32 s5, $0x3  }
0xa: {  	s6 =	sadd.s32 s8, s9;
	s9 =	smax.u32 s10, $0x1;
	s10 =	simm.s32 $0x2  }
0xb: {  	v0 =	vlaneseq.u32;
	s7 =	sadd.s32 s8, s31;
	s8 =	sadd.s32 $0x500A00, s11;
	s11 =	simm.s32 $0x80  }
.LBB2_1:
0xc: {  	[tilespmem:s2], [sflag:$0x2] =	stream.linear.gather [hbm4b:s6+s2], $0x8000, $0x38;
	[tilespmem:$0x18000] =	vst v63  }
0xd: {  	_ =	swait.ge [sflag:s10], $0x8000  }
0xe: {  	[sflag:s10] =	ssyncset.done $0x0  }
0xf: {  	s16 =	simm.s32 $0x0;
	[sflag:s10] =	ssyncadd.s32 $0xFFFF8000  }
0x10: {  	v1 =	vld [tilespmem:s16+$0x0];
	_ =	sdelay $0x4  }
0x11: {  	v1 =	vshll.u32 v1, $0x15  }
0x12: {  	v1 =	vadd.s32 s4, v1  }
0x13: {  	v1 =	vor.u32 v0, v1  }
0x14: {  	s15 =	simm.s32 $0x10;
	s17 =	simm.s32 $0x80;
	[tilespmem:s16+$0x0] =	vst v1;
	s16 =	smov.u32 s4  }
.LBB2_2:
0x15: {  	p0 =	sne.s32 s17, $0x1FFC0;
	v1 =	vld [tilespmem:s15+$0x0];
	_ =	sdelay $0x3  }
.Ltmp0:
0x16: {  	(pc) =	sbr.rel @p0 .LBB2_2-.Ltmp0, $4  }
0x17: {  	s16 =	sadd.s32 $0x10, s16;
	v1 =	vshll.u32 v1, $0x15  }
0x18: {  	v1 =	vadd.s32 s16, v1  }
0x19: {  	v1 =	vor.u32 v0, v1  }
0x1a: {  	[tilespmem:s15+$0x0] =	vst v1;
	s15 =	sshra.s32 s17, $0x2;
	s17 =	sadd.s32 $0x40, s17  }
0x1b: {  	v1 =	vld [tilespmem:s15+$0x0];
	_ =	sdelay $0x4  }
0x1c: {  	s16 =	sadd.s32 $0x10, s16;
	v1 =	vshll.u32 v1, $0x15  }
0x1d: {  	v1 =	vadd.s32 s16, v1  }
0x1e: {  	v1 =	vor.u32 v0, v1  }
0x1f: {  	s30 =	simm.s32 $0x0;
	s31 =	simm.s32 $0x8000;
	[tilespmem:s15+$0x0] =	vst v1  }
0x20: {  	[tilespmem:s31], [sflag:$0x1] =	stream.indirect.gather [hbm4b:s3+s11], $0x1, s30, s11, $0xb8;
	[tilespmem:$0x18000] =	vst v63  }
0x21: {  	s17 =	simm.s32 $0x8080;
	s18 =	simm.s32 $0x80  }
0x22: {  	[tilespmem:s17], [sflag:$0x1] =	stream.indirect.gather [hbm4b:s3+s11], $0x1, s18, s11, $0xb8;
	[tilespmem:$0x18000] =	vst v63  }
0x23: {  	s19 =	simm.s32 $0x8100;
	s20 =	simm.s32 $0x100  }
0x24: {  	[tilespmem:s19], [sflag:$0x1] =	stream.indirect.gather [hbm4b:s3+s11], $0x1, s20, s11, $0xb8;
	[tilespmem:$0x18000] =	vst v63  }
0x25: {  	s21 =	simm.s32 $0x8180;
	s22 =	simm.s32 $0x180  }
0x26: {  	[tilespmem:s21], [sflag:$0x1] =	stream.indirect.gather [hbm4b:s3+s11], $0x1, s22, s11, $0xb8;
	[tilespmem:$0x18000] =	vst v63  }
0x27: {  	s23 =	simm.s32 $0x8200;
	s24 =	simm.s32 $0x200  }
0x28: {  	[tilespmem:s23], [sflag:$0x1] =	stream.indirect.gather [hbm4b:s3+s11], $0x1, s24, s11, $0xb8;
	[tilespmem:$0x18000] =	vst v63  }
0x29: {  	s25 =	simm.s32 $0x8280;
	s26 =	simm.s32 $0x280  }
0x2a: {  	[tilespmem:s25], [sflag:$0x1] =	stream.indirect.gather [hbm4b:s3+s11], $0x1, s26, s11, $0xb8;
	[tilespmem:$0x18000] =	vst v63  }
0x2b: {  	s28 =	simm.s32 $0x8300;
	s29 =	simm.s32 $0x300  }
0x2c: {  	[tilespmem:s28], [sflag:$0x1] =	stream.indirect.gather [hbm4b:s3+s11], $0x1, s29, s11, $0xb8;
	[tilespmem:$0x18000] =	vst v63  }
0x2d: {  	s30 =	simm.s32 $0x8380;
	s31 =	simm.s32 $0x380  }
0x2e: {  	[tilespmem:s30], [sflag:$0x1] =	stream.indirect.gather [hbm4b:s3+s11], $0x1, s31, s11, $0xb8;
	[tilespmem:$0x18000] =	vst v63  }
0x2f: {  	_ =	swait.ge [sflag:s12], $0x80  }
0x30: {  	[sflag:s12] =	ssyncset.done $0x0  }
0x31: {  	[sflag:s12] =	ssyncadd.s32 $0xFFFFFF80  }
0x32: {  	_ =	swait.ge [sflag:s12], $0x80  }
0x33: {  	[sflag:s12] =	ssyncset.done $0x0  }
0x34: {  	[sflag:s12] =	ssyncadd.s32 $0xFFFFFF80  }
0x35: {  	_ =	swait.ge [sflag:s12], $0x80  }
0x36: {  	[sflag:s12] =	ssyncset.done $0x0  }
0x37: {  	[sflag:s12] =	ssyncadd.s32 $0xFFFFFF80  }
0x38: {  	_ =	swait.ge [sflag:s12], $0x80  }
0x39: {  	[sflag:s12] =	ssyncset.done $0x0  }
0x3a: {  	[sflag:s12] =	ssyncadd.s32 $0xFFFFFF80  }
0x3b: {  	_ =	swait.ge [sflag:s12], $0x80  }
0x3c: {  	[sflag:s12] =	ssyncset.done $0x0  }
0x3d: {  	[sflag:s12] =	ssyncadd.s32 $0xFFFFFF80  }
0x3e: {  	_ =	swait.ge [sflag:s12], $0x80  }
0x3f: {  	[sflag:s12] =	ssyncset.done $0x0  }
0x40: {  	[sflag:s12] =	ssyncadd.s32 $0xFFFFFF80  }
0x41: {  	_ =	swait.ge [sflag:s12], $0x80  }
0x42: {  	[sflag:s12] =	ssyncset.done $0x0  }
0x43: {  	[sflag:s12] =	ssyncadd.s32 $0xFFFFFF80  }
0x44: {  	_ =	swait.ge [sflag:s12], $0x80  }
0x45: {  	s18 =	simm.s32 $0x2000;
	s17 =	simm.s32 $0x400;
	[sflag:s12] =	ssyncset.done $0x0  }
.LBB2_4:
0x46: {  	s19 =	sadd.s32 $0x8000, s17  }
0x47: {  	[sflag:s12] =	ssyncadd.s32 $0xFFFFFF80;
	s16 =	smov.u32 s18;
	s15 =	sadd.s32 $0x1000, s18  }
0x48: {  	[tilespmem:s19], [sflag:$0x1] =	stream.indirect.gather [hbm4b:s3+s11], $0x1, s17, s11, $0xb8;
	[tilespmem:$0x18000] =	vst v63  }
0x49: {  	p0 =	sne.s32 s18, $0x1F000;
	s18 =	sadd.s32 $0x8080, s17;
	s19 =	sadd.s32 $0x80, s17  }
0x4a: {  	[tilespmem:s18], [sflag:$0x1] =	stream.indirect.gather [hbm4b:s3+s11], $0x1, s19, s11, $0xb8;
	[tilespmem:$0x18000] =	vst v63  }
0x4b: {  	s18 =	sadd.s32 $0x8100, s17;
	s19 =	sadd.s32 $0x100, s17  }
0x4c: {  	[tilespmem:s18], [sflag:$0x1] =	stream.indirect.gather [hbm4b:s3+s11], $0x1, s19, s11, $0xb8;
	[tilespmem:$0x18000] =	vst v63  }
0x4d: {  	s18 =	sadd.s32 $0x8180, s17;
	s19 =	sadd.s32 $0x180, s17  }
0x4e: {  	[tilespmem:s18], [sflag:$0x1] =	stream.indirect.gather [hbm4b:s3+s11], $0x1, s19, s11, $0xb8;
	[tilespmem:$0x18000] =	vst v63  }
0x4f: {  	s18 =	sadd.s32 $0x8200, s17;
	s19 =	sadd.s32 $0x200, s17  }
0x50: {  	[tilespmem:s18], [sflag:$0x1] =	stream.indirect.gather [hbm4b:s3+s11], $0x1, s19, s11, $0xb8;
	[tilespmem:$0x18000] =	vst v63  }
0x51: {  	s18 =	sadd.s32 $0x8280, s17;
	s19 =	sadd.s32 $0x280, s17  }
0x52: {  	[tilespmem:s18], [sflag:$0x1] =	stream.indirect.gather [hbm4b:s3+s11], $0x1, s19, s11, $0xb8;
	[tilespmem:$0x18000] =	vst v63  }
0x53: {  	s18 =	sadd.s32 $0x8300, s17;
	s19 =	sadd.s32 $0x300, s17  }
0x54: {  	[tilespmem:s18], [sflag:$0x1] =	stream.indirect.gather [hbm4b:s3+s11], $0x1, s19, s11, $0xb8;
	[tilespmem:$0x18000] =	vst v63  }
0x55: {  	s18 =	sadd.s32 $0x8380, s17;
	s17 =	sadd.s32 $0x380, s17  }
0x56: {  	[tilespmem:s18], [sflag:$0x1] =	stream.indirect.gather [hbm4b:s3+s11], $0x1, s17, s11, $0xb8;
	[tilespmem:$0x18000] =	vst v63  }
0x57: {  	_ =	swait.ge [sflag:s12], $0x80  }
0x58: {  	[sflag:s12] =	ssyncset.done $0x0  }
0x59: {  	[sflag:s12] =	ssyncadd.s32 $0xFFFFFF80  }
0x5a: {  	_ =	swait.ge [sflag:s12], $0x80  }
0x5b: {  	[sflag:s12] =	ssyncset.done $0x0  }
0x5c: {  	[sflag:s12] =	ssyncadd.s32 $0xFFFFFF80  }
0x5d: {  	_ =	swait.ge [sflag:s12], $0x80  }
0x5e: {  	[sflag:s12] =	ssyncset.done $0x0  }
0x5f: {  	[sflag:s12] =	ssyncadd.s32 $0xFFFFFF80  }
0x60: {  	_ =	swait.ge [sflag:s12], $0x80  }
0x61: {  	[sflag:s12] =	ssyncset.done $0x0  }
0x62: {  	[sflag:s12] =	ssyncadd.s32 $0xFFFFFF80  }
0x63: {  	_ =	swait.ge [sflag:s12], $0x80  }
0x64: {  	[sflag:s12] =	ssyncset.done $0x0  }
0x65: {  	[sflag:s12] =	ssyncadd.s32 $0xFFFFFF80  }
0x66: {  	_ =	swait.ge [sflag:s12], $0x80  }
0x67: {  	[sflag:s12] =	ssyncset.done $0x0  }
0x68: {  	[sflag:s12] =	ssyncadd.s32 $0xFFFFFF80  }
.Ltmp1:
0x69: {  	_ =	swait.ge [sflag:s12], $0x80;
	(pc) =	sbr.rel @p0 .LBB2_4-.Ltmp1, $4  }
0x6a: {  	[sflag:s12] =	ssyncset.done $0x0  }
0x6b: {  	[sflag:s12] =	ssyncadd.s32 $0xFFFFFF80  }
0x6c: {  	_ =	swait.ge [sflag:s12], $0x80  }
0x6d: {  	s17 =	sshra.s32 s16, $0x2;
	s18 =	smov.u32 s15;
	[sflag:s12] =	ssyncset.done $0x0  }
0x6e: {  	s15 =	sadd.s32 $0x8000, s17;
	[sflag:s12] =	ssyncadd.s32 $0xFFFFFF80  }
0x6f: {  	[tilespmem:s15], [sflag:$0x1] =	stream.indirect.gather [hbm4b:s3+s11], $0x1, s17, s11, $0xb8;
	[tilespmem:$0x18000] =	vst v63  }
0x70: {  	s31 =	sadd.s32 $0x8080, s17;
	s16 =	sadd.s32 $0x80, s17  }
0x71: {  	[tilespmem:s31], [sflag:$0x1] =	stream.indirect.gather [hbm4b:s3+s11], $0x1, s16, s11, $0xb8;
	[tilespmem:$0x18000] =	vst v63  }
0x72: {  	s18 =	sadd.s32 $0x100, s17;
	s16 =	sadd.s32 $0x8100, s17  }
0x73: {  	[tilespmem:s16], [sflag:$0x1] =	stream.indirect.gather [hbm4b:s3+s11], $0x1, s18, s11, $0xb8;
	[tilespmem:$0x18000] =	vst v63  }
0x74: {  	s19 =	sadd.s32 $0x8180, s17;
	s20 =	sadd.s32 $0x180, s17  }
0x75: {  	[tilespmem:s19], [sflag:$0x1] =	stream.indirect.gather [hbm4b:s3+s11], $0x1, s20, s11, $0xb8;
	[tilespmem:$0x18000] =	vst v63  }
0x76: {  	s21 =	sadd.s32 $0x8200, s17;
	s22 =	sadd.s32 $0x200, s17  }
0x77: {  	[tilespmem:s21], [sflag:$0x1] =	stream.indirect.gather [hbm4b:s3+s11], $0x1, s22, s11, $0xb8;
	[tilespmem:$0x18000] =	vst v63  }
0x78: {  	s23 =	sadd.s32 $0x8280, s17;
	s24 =	sadd.s32 $0x280, s17  }
0x79: {  	[tilespmem:s23], [sflag:$0x1] =	stream.indirect.gather [hbm4b:s3+s11], $0x1, s24, s11, $0xb8;
	[tilespmem:$0x18000] =	vst v63  }
0x7a: {  	s25 =	sadd.s32 $0x8300, s17;
	s26 =	sadd.s32 $0x300, s17  }
0x7b: {  	[tilespmem:s25], [sflag:$0x1] =	stream.indirect.gather [hbm4b:s3+s11], $0x1, s26, s11, $0xb8;
	[tilespmem:$0x18000] =	vst v63  }
0x7c: {  	s28 =	sadd.s32 $0x8380, s17;
	s29 =	sadd.s32 $0x380, s17  }
0x7d: {  	[tilespmem:s28], [sflag:$0x1] =	stream.indirect.gather [hbm4b:s3+s11], $0x1, s29, s11, $0xb8;
	[tilespmem:$0x18000] =	vst v63  }
0x7e: {  	_ =	swait.ge [sflag:s12], $0x80  }
0x7f: {  	[sflag:s12] =	ssyncset.done $0x0  }
0x80: {  	[sflag:s12] =	ssyncadd.s32 $0xFFFFFF80  }
0x81: {  	_ =	swait.ge [sflag:s12], $0x80  }
0x82: {  	[sflag:s12] =	ssyncset.done $0x0  }
0x83: {  	[sflag:s12] =	ssyncadd.s32 $0xFFFFFF80  }
0x84: {  	_ =	swait.ge [sflag:s12], $0x80  }
0x85: {  	[sflag:s12] =	ssyncset.done $0x0  }
0x86: {  	[sflag:s12] =	ssyncadd.s32 $0xFFFFFF80  }
0x87: {  	_ =	swait.ge [sflag:s12], $0x80  }
0x88: {  	[sflag:s12] =	ssyncset.done $0x0  }
0x89: {  	[sflag:s12] =	ssyncadd.s32 $0xFFFFFF80  }
0x8a: {  	_ =	swait.ge [sflag:s12], $0x80  }
0x8b: {  	[sflag:s12] =	ssyncset.done $0x0  }
0x8c: {  	[sflag:s12] =	ssyncadd.s32 $0xFFFFFF80  }
0x8d: {  	_ =	swait.ge [sflag:s12], $0x80  }
0x8e: {  	[sflag:s12] =	ssyncset.done $0x0  }
0x8f: {  	[sflag:s12] =	ssyncadd.s32 $0xFFFFFF80  }
0x90: {  	_ =	swait.ge [sflag:s12], $0x80  }
0x91: {  	[sflag:s12] =	ssyncset.done $0x0  }
0x92: {  	[sflag:s12] =	ssyncadd.s32 $0xFFFFFF80  }
0x93: {  	_ =	swait.ge [sflag:s12], $0x80  }
0x94: {  	[sflag:s12] =	ssyncset.done $0x0  }
0x95: {  	s30 =	simm.s32 $0x0;
	[sflag:s12] =	ssyncadd.s32 $0xFFFFFF80  }
0x96: {  	[tilespmem:s30], [sflag:$0x2] =	stream.linear.gather [hbm4b:s7+s30], $0x8000, $0x38;
	[tilespmem:$0x18000] =	vst v63  }
0x97: {  	_ =	swait.ge [sflag:s10], $0x8000  }
0x98: {  	[sflag:s10] =	ssyncset.done $0x0  }
0x99: {  	s31 =	simm.s32 $0x0;
	[sflag:s10] =	ssyncadd.s32 $0xFFFF8000  }
0x9a: {  	v1 =	vld [tilespmem:s31+$0x0];
	_ =	sdelay $0x4  }
0x9b: {  	v1 =	vshll.u32 v1, $0x15  }
0x9c: {  	v1 =	vadd.s32 s5, v1  }
0x9d: {  	v1 =	vor.u32 v0, v1  }
0x9e: {  	s15 =	simm.s32 $0x10;
	s17 =	simm.s32 $0x80;
	s16 =	smov.u32 s5;
	[tilespmem:s31+$0x0] =	vst v1  }
.LBB2_6:
0x9f: {  	p0 =	sne.s32 s17, $0x1FFC0;
	v1 =	vld [tilespmem:s15+$0x0];
	_ =	sdelay $0x3  }
.Ltmp2:
0xa0: {  	(pc) =	sbr.rel @p0 .LBB2_6-.Ltmp2, $4  }
0xa1: {  	s16 =	sadd.s32 $0x10, s16;
	v1 =	vshll.u32 v1, $0x15  }
0xa2: {  	v1 =	vadd.s32 s16, v1  }
0xa3: {  	v1 =	vor.u32 v0, v1  }
0xa4: {  	[tilespmem:s15+$0x0] =	vst v1;
	s15 =	sshra.s32 s17, $0x2;
	s17 =	sadd.s32 $0x40, s17  }
0xa5: {  	v1 =	vld [tilespmem:s15+$0x0];
	_ =	sdelay $0x4  }
0xa6: {  	s16 =	sadd.s32 $0x10, s16;
	v1 =	vshll.u32 v1, $0x15  }
0xa7: {  	v1 =	vadd.s32 s16, v1  }
0xa8: {  	v1 =	vor.u32 v0, v1  }
0xa9: {  	s30 =	simm.s32 $0x0;
	s31 =	simm.s32 $0x10000;
	[tilespmem:s15+$0x0] =	vst v1  }
0xaa: {  	[tilespmem:s31], [sflag:$0x1] =	stream.indirect.gather [hbm4b:s3+s11], $0x1, s30, s11, $0xb8;
	[tilespmem:$0x18000] =	vst v63  }
0xab: {  	s17 =	simm.s32 $0x10080;
	s18 =	simm.s32 $0x80  }
0xac: {  	[tilespmem:s17], [sflag:$0x1] =	stream.indirect.gather [hbm4b:s3+s11], $0x1, s18, s11, $0xb8;
	[tilespmem:$0x18000] =	vst v63  }
0xad: {  	s19 =	simm.s32 $0x10100;
	s20 =	simm.s32 $0x100  }
0xae: {  	[tilespmem:s19], [sflag:$0x1] =	stream.indirect.gather [hbm4b:s3+s11], $0x1, s20, s11, $0xb8;
	[tilespmem:$0x18000] =	vst v63  }
0xaf: {  	s21 =	simm.s32 $0x10180;
	s22 =	simm.s32 $0x180  }
0xb0: {  	[tilespmem:s21], [sflag:$0x1] =	stream.indirect.gather [hbm4b:s3+s11], $0x1, s22, s11, $0xb8;
	[tilespmem:$0x18000] =	vst v63  }
0xb1: {  	s23 =	simm.s32 $0x10200;
	s24 =	simm.s32 $0x200  }
0xb2: {  	[tilespmem:s23], [sflag:$0x1] =	stream.indirect.gather [hbm4b:s3+s11], $0x1, s24, s11, $0xb8;
	[tilespmem:$0x18000] =	vst v63  }
0xb3: {  	s25 =	simm.s32 $0x10280;
	s26 =	simm.s32 $0x280  }
0xb4: {  	[tilespmem:s25], [sflag:$0x1] =	stream.indirect.gather [hbm4b:s3+s11], $0x1, s26, s11, $0xb8;
	[tilespmem:$0x18000] =	vst v63  }
0xb5: {  	s28 =	simm.s32 $0x10300;
	s29 =	simm.s32 $0x300  }
0xb6: {  	[tilespmem:s28], [sflag:$0x1] =	stream.indirect.gather [hbm4b:s3+s11], $0x1, s29, s11, $0xb8;
	[tilespmem:$0x18000] =	vst v63  }
0xb7: {  	s30 =	simm.s32 $0x10380;
	s31 =	simm.s32 $0x380  }
0xb8: {  	[tilespmem:s30], [sflag:$0x1] =	stream.indirect.gather [hbm4b:s3+s11], $0x1, s31, s11, $0xb8;
	[tilespmem:$0x18000] =	vst v63  }
0xb9: {  	_ =	swait.ge [sflag:s12], $0x80  }
0xba: {  	[sflag:s12] =	ssyncset.done $0x0  }
0xbb: {  	[sflag:s12] =	ssyncadd.s32 $0xFFFFFF80  }
0xbc: {  	_ =	swait.ge [sflag:s12], $0x80  }
0xbd: {  	[sflag:s12] =	ssyncset.done $0x0  }
0xbe: {  	[sflag:s12] =	ssyncadd.s32 $0xFFFFFF80  }
0xbf: {  	_ =	swait.ge [sflag:s12], $0x80  }
0xc0: {  	[sflag:s12] =	ssyncset.done $0x0  }
0xc1: {  	[sflag:s12] =	ssyncadd.s32 $0xFFFFFF80  }
0xc2: {  	_ =	swait.ge [sflag:s12], $0x80  }
0xc3: {  	[sflag:s12] =	ssyncset.done $0x0  }
0xc4: {  	[sflag:s12] =	ssyncadd.s32 $0xFFFFFF80  }
0xc5: {  	_ =	swait.ge [sflag:s12], $0x80  }
0xc6: {  	[sflag:s12] =	ssyncset.done $0x0  }
0xc7: {  	[sflag:s12] =	ssyncadd.s32 $0xFFFFFF80  }
0xc8: {  	_ =	swait.ge [sflag:s12], $0x80  }
0xc9: {  	[sflag:s12] =	ssyncset.done $0x0  }
0xca: {  	[sflag:s12] =	ssyncadd.s32 $0xFFFFFF80  }
0xcb: {  	_ =	swait.ge [sflag:s12], $0x80  }
0xcc: {  	[sflag:s12] =	ssyncset.done $0x0  }
0xcd: {  	[sflag:s12] =	ssyncadd.s32 $0xFFFFFF80  }
0xce: {  	_ =	swait.ge [sflag:s12], $0x80  }
0xcf: {  	s18 =	simm.s32 $0x2000;
	s17 =	simm.s32 $0x400;
	[sflag:s12] =	ssyncset.done $0x0  }
.LBB2_8:
0xd0: {  	s19 =	sadd.s32 $0x10000, s17  }
0xd1: {  	[sflag:s12] =	ssyncadd.s32 $0xFFFFFF80;
	s16 =	smov.u32 s18;
	s15 =	sadd.s32 $0x1000, s18  }
0xd2: {  	[tilespmem:s19], [sflag:$0x1] =	stream.indirect.gather [hbm4b:s3+s11], $0x1, s17, s11, $0xb8;
	[tilespmem:$0x18000] =	vst v63  }
0xd3: {  	p0 =	sne.s32 s18, $0x1F000;
	s18 =	sadd.s32 $0x10080, s17;
	s19 =	sadd.s32 $0x80, s17  }
0xd4: {  	[tilespmem:s18], [sflag:$0x1] =	stream.indirect.gather [hbm4b:s3+s11], $0x1, s19, s11, $0xb8;
	[tilespmem:$0x18000] =	vst v63  }
0xd5: {  	s18 =	sadd.s32 $0x10100, s17;
	s19 =	sadd.s32 $0x100, s17  }
0xd6: {  	[tilespmem:s18], [sflag:$0x1] =	stream.indirect.gather [hbm4b:s3+s11], $0x1, s19, s11, $0xb8;
	[tilespmem:$0x18000] =	vst v63  }
0xd7: {  	s18 =	sadd.s32 $0x10180, s17;
	s19 =	sadd.s32 $0x180, s17  }
0xd8: {  	[tilespmem:s18], [sflag:$0x1] =	stream.indirect.gather [hbm4b:s3+s11], $0x1, s19, s11, $0xb8;
	[tilespmem:$0x18000] =	vst v63  }
0xd9: {  	s18 =	sadd.s32 $0x10200, s17;
	s19 =	sadd.s32 $0x200, s17  }
0xda: {  	[tilespmem:s18], [sflag:$0x1] =	stream.indirect.gather [hbm4b:s3+s11], $0x1, s19, s11, $0xb8;
	[tilespmem:$0x18000] =	vst v63  }
0xdb: {  	s18 =	sadd.s32 $0x10280, s17;
	s19 =	sadd.s32 $0x280, s17  }
0xdc: {  	[tilespmem:s18], [sflag:$0x1] =	stream.indirect.gather [hbm4b:s3+s11], $0x1, s19, s11, $0xb8;
	[tilespmem:$0x18000] =	vst v63  }
0xdd: {  	s18 =	sadd.s32 $0x10300, s17;
	s19 =	sadd.s32 $0x300, s17  }
0xde: {  	[tilespmem:s18], [sflag:$0x1] =	stream.indirect.gather [hbm4b:s3+s11], $0x1, s19, s11, $0xb8;
	[tilespmem:$0x18000] =	vst v63  }
0xdf: {  	s18 =	sadd.s32 $0x10380, s17;
	s17 =	sadd.s32 $0x380, s17  }
0xe0: {  	[tilespmem:s18], [sflag:$0x1] =	stream.indirect.gather [hbm4b:s3+s11], $0x1, s17, s11, $0xb8;
	[tilespmem:$0x18000] =	vst v63  }
0xe1: {  	_ =	swait.ge [sflag:s12], $0x80  }
0xe2: {  	[sflag:s12] =	ssyncset.done $0x0  }
0xe3: {  	[sflag:s12] =	ssyncadd.s32 $0xFFFFFF80  }
0xe4: {  	_ =	swait.ge [sflag:s12], $0x80  }
0xe5: {  	[sflag:s12] =	ssyncset.done $0x0  }
0xe6: {  	[sflag:s12] =	ssyncadd.s32 $0xFFFFFF80  }
0xe7: {  	_ =	swait.ge [sflag:s12], $0x80  }
0xe8: {  	[sflag:s12] =	ssyncset.done $0x0  }
0xe9: {  	[sflag:s12] =	ssyncadd.s32 $0xFFFFFF80  }
0xea: {  	_ =	swait.ge [sflag:s12], $0x80  }
0xeb: {  	[sflag:s12] =	ssyncset.done $0x0  }
0xec: {  	[sflag:s12] =	ssyncadd.s32 $0xFFFFFF80  }
0xed: {  	_ =	swait.ge [sflag:s12], $0x80  }
0xee: {  	[sflag:s12] =	ssyncset.done $0x0  }
0xef: {  	[sflag:s12] =	ssyncadd.s32 $0xFFFFFF80  }
0xf0: {  	_ =	swait.ge [sflag:s12], $0x80  }
0xf1: {  	[sflag:s12] =	ssyncset.done $0x0  }
0xf2: {  	[sflag:s12] =	ssyncadd.s32 $0xFFFFFF80  }
.Ltmp3:
0xf3: {  	_ =	swait.ge [sflag:s12], $0x80;
	(pc) =	sbr.rel @p0 .LBB2_8-.Ltmp3, $4  }
0xf4: {  	[sflag:s12] =	ssyncset.done $0x0  }
0xf5: {  	[sflag:s12] =	ssyncadd.s32 $0xFFFFFF80  }
0xf6: {  	_ =	swait.ge [sflag:s12], $0x80  }
0xf7: {  	s17 =	sshra.s32 s16, $0x2;
	s18 =	smov.u32 s15;
	[sflag:s12] =	ssyncset.done $0x0  }
0xf8: {  	s15 =	sadd.s32 $0x10000, s17;
	[sflag:s12] =	ssyncadd.s32 $0xFFFFFF80  }
0xf9: {  	[tilespmem:s15], [sflag:$0x1] =	stream.indirect.gather [hbm4b:s3+s11], $0x1, s17, s11, $0xb8;
	[tilespmem:$0x18000] =	vst v63  }
0xfa: {  	s18 =	sadd.s32 $0x10080, s17;
	s16 =	sadd.s32 $0x80, s17  }
0xfb: {  	[tilespmem:s18], [sflag:$0x1] =	stream.indirect.gather [hbm4b:s3+s11], $0x1, s16, s11, $0xb8;
	[tilespmem:$0x18000] =	vst v63  }
0xfc: {  	s19 =	sadd.s32 $0x10100, s17;
	s20 =	sadd.s32 $0x100, s17  }
0xfd: {  	[tilespmem:s19], [sflag:$0x1] =	stream.indirect.gather [hbm4b:s3+s11], $0x1, s20, s11, $0xb8;
	[tilespmem:$0x18000] =	vst v63  }
0xfe: {  	s21 =	sadd.s32 $0x10180, s17;
	s22 =	sadd.s32 $0x180, s17  }
0xff: {  	[tilespmem:s21], [sflag:$0x1] =	stream.indirect.gather [hbm4b:s3+s11], $0x1, s22, s11, $0xb8;
	[tilespmem:$0x18000] =	vst v63  }
0x100: {  	s23 =	sadd.s32 $0x10200, s17;
	s24 =	sadd.s32 $0x200, s17  }
0x101: {  	[tilespmem:s23], [sflag:$0x1] =	stream.indirect.gather [hbm4b:s3+s11], $0x1, s24, s11, $0xb8;
	[tilespmem:$0x18000] =	vst v63  }
0x102: {  	s25 =	sadd.s32 $0x10280, s17;
	s26 =	sadd.s32 $0x280, s17  }
0x103: {  	[tilespmem:s25], [sflag:$0x1] =	stream.indirect.gather [hbm4b:s3+s11], $0x1, s26, s11, $0xb8;
	[tilespmem:$0x18000] =	vst v63  }
0x104: {  	s28 =	sadd.s32 $0x10300, s17;
	s29 =	sadd.s32 $0x300, s17  }
0x105: {  	[tilespmem:s28], [sflag:$0x1] =	stream.indirect.gather [hbm4b:s3+s11], $0x1, s29, s11, $0xb8;
	[tilespmem:$0x18000] =	vst v63  }
0x106: {  	s30 =	sadd.s32 $0x10380, s17;
	s31 =	sadd.s32 $0x380, s17  }
0x107: {  	[tilespmem:s30], [sflag:$0x1] =	stream.indirect.gather [hbm4b:s3+s11], $0x1, s31, s11, $0xb8;
	[tilespmem:$0x18000] =	vst v63  }
0x108: {  	_ =	swait.ge [sflag:s12], $0x80  }
0x109: {  	[sflag:s12] =	ssyncset.done $0x0  }
0x10a: {  	[sflag:s12] =	ssyncadd.s32 $0xFFFFFF80  }
0x10b: {  	_ =	swait.ge [sflag:s12], $0x80  }
0x10c: {  	[sflag:s12] =	ssyncset.done $0x0  }
0x10d: {  	[sflag:s12] =	ssyncadd.s32 $0xFFFFFF80  }
0x10e: {  	_ =	swait.ge [sflag:s12], $0x80  }
0x10f: {  	[sflag:s12] =	ssyncset.done $0x0  }
0x110: {  	[sflag:s12] =	ssyncadd.s32 $0xFFFFFF80  }
0x111: {  	_ =	swait.ge [sflag:s12], $0x80  }
0x112: {  	[sflag:s12] =	ssyncset.done $0x0  }
0x113: {  	[sflag:s12] =	ssyncadd.s32 $0xFFFFFF80  }
0x114: {  	_ =	swait.ge [sflag:s12], $0x80  }
0x115: {  	[sflag:s12] =	ssyncset.done $0x0  }
0x116: {  	[sflag:s12] =	ssyncadd.s32 $0xFFFFFF80  }
0x117: {  	_ =	swait.ge [sflag:s12], $0x80  }
0x118: {  	[sflag:s12] =	ssyncset.done $0x0  }
0x119: {  	[sflag:s12] =	ssyncadd.s32 $0xFFFFFF80  }
0x11a: {  	_ =	swait.ge [sflag:s12], $0x80  }
0x11b: {  	[sflag:s12] =	ssyncset.done $0x0  }
0x11c: {  	[sflag:s12] =	ssyncadd.s32 $0xFFFFFF80  }
0x11d: {  	s14 =	sadd.s32 $0x1, s14;
	_ =	swait.ge [sflag:s12], $0x80  }
0x11e: {  	p0 =	sne.s32 s14, s9;
	[sflag:s12] =	ssyncset.done $0x0  }
.Ltmp4:
0x11f: {  	[sflag:s12] =	ssyncadd.s32 $0xFFFFFF80;
	(pc) =	sbr.rel @p0 .LBB2_1-.Ltmp4, $4  }
0x120: {  	[hbm4b:s8+s2] =	stream.linear.scatter [tilespmem:s13], [sflag:$0x2], $0x10000, $0x38;
	[tilespmem:$0x18000] =	vst v63  }
0x121: {  	_ =	swait.ge [sflag:s10], $0x10000  }
0x122: {  	[sflag:s10] =	ssyncset.done $0x0  }
0x123: {  	[sflag:s10] =	ssyncadd.s32 $0xFFFF0000  }
0x124: {  	_ =	sfence.sel $0x180000  }
0x125: {  	[bflag:$0x0] =	sbarrier.arrive $0xFFFF  }
0x126: {  	p0 =	sne.s32 s1, $0x0;
	_ =	strace $0x9000004A  }
0x127: {  	s0 =	sadd.s32 @!p0 $0x100000, s0;
	[bflag:$0x2] =	sbarrier.arrive $0xFFFF  }
0x128: {  	[sflag:s0] =	ssyncadd.tile.s32 @!p0 $0x1;
	_ =	shalt  }
.Lfunc_end2:
_tile_overlayer_lowered:
.L_overlay_start_2:
0x129: {  	(tag) =	ssettag $0x2  }
0x12a: {  	s0 =	rddreg [dreg:$0x0];
	s2 =	stileid.u32  }
0x12b: {  	s1 =	rddreg [dreg:$0x1];
	p0 =	sne.s32 s2, $0x0  }
0x12c: {  	s3 =	rddreg [dreg:$0x2];
	[bflag:$0x3] =	sbarrier.arrive $0xFFFF;
	s2 =	simm.s32 @!p0 $0x1C02  }
0x12d: {  	[timem:s3], [sflag:s2] =	dma.local @!p0 [hbm:s0], s1  }
0x12e: {  	s0 =	simm.s32 @!p0 $0x2  }
0x12f: {  	_ =	swait.ge @!p0 [sflag:s0], s1  }
0x130: {  	s1 =	ssub.s32 @!p0 $0x0, s1;
	[sflag:s0] =	ssyncset.done @!p0 $0x0  }
0x131: {  	[sflag:s0] =	ssyncadd.s32 @!p0 s1  }
0x132: {  	[bflag:$0x3] =	sbarrier.arrive $0xFFFF  }
0x133: {  	_ =	shalt  }

// kernel: sparse-core-data-format-call.cloned.1.call-start
scs
called_computation_lowered:
.L_overlay_start_0:
0x0: {  	s2 =	sld [smem:$0x3FD9]  }
0x1: {  	s3 =	sld [smem:$0x3FFE];
	_ =	sdelay $0x1  }
0x2: {  	s1 =	srdreg.scid  }
0x3: {  	s0 =	sand.u32 $0x1, s1  }
0x4: {  	s18 =	sshll.u32 s0, $0xA;
	s2 =	sadd.s32 s3, s2  }
0x5: {  	s2 =	sadd.s32 s2, s18  }
0x6: {  	[smem:$0x3FC6] =	sst s2  }
0x7: {  	_ = 	snop  }
0x8: {  	s2 =	sld [smem:$0x3FC9];
	(tm) =	ssettm $0x1  }
0x9: {  	s19 =	sld [smem:$0x3FFB];
	_ =	sdelay $0x3  }
0xa: {  	_ =	strace s19  }
0xb: {  	s3 =	sld [smem:$0x3FFC];
	_ =	sdelay $0x3  }
0xc: {  	_ =	strace s3  }
0xd: {  	s3 =	sld [smem:$0x3FFD];
	_ =	sdelay $0x3  }
0xe: {  	_ =	strace s3  }
0xf: {  	_ =	strace $0x8FFFFFFF  }
0x10: {  	s20 =	sld [smem:$0x3FDB];
	_ =	sdelay $0x1  }
0x11: {  	s4 =	simm.s32 $_scs_section_size  }
0x12: {  	s5 =	simm.s32 $_size__tile_overlayer_lowered;
	s6 =	simm.s32 $_tile_overlayer_lowered  }
0x13: {  	s23 =	simm.s32 $0x1BFF;
	s22 =	sshll.u32 s6, $0x1;
	s3 =	sadd.s32 s4, s20  }
0x14: {  	s7 =	simm.s32 $0x0;
	s21 =	sshll.u32 s5, $0x1;
	s5 =	sadd.s32 s22, s3  }
0x15: {  	[timem:s7], [sflag:s23] =	dma.local [hbm:s5], s21  }
0x16: {  	_ =	swait.ge [sflag:s23], s21  }
0x17: {  	s4 =	ssub.s32 $0x0, s21;
	[sflag:s23] =	ssyncset.done $0x0  }
0x18: {  	[sflag:s23] =	ssyncadd.s32 s4;
	_ =	sdelay $0x1  }
0x19: {  	s24 =	simm.s32 $0x1B8B  }
0x1a: {  	_ =	swait.ge [sflag:s24], $0x1  }
0x1b: {  	[sflag:s24] =	ssyncset.done $0x0  }
0x1c: {  	s26 =	simm.s32 $0x1B8E;
	s25 =	sld [smem:$0x3FFE];
	[sflag:s24] =	ssyncadd.s32 $0xFFFFFFFF  }
0x1d: {  	s27 =	simm.s32 $execute0_lowered;
	[smem:$0x3FD2] =	sst s26  }
0x1e: {  	s5 =	sshll.u32 s27, $0x1;
	_ =	strace $0x80000046;
	[dreg:$0x1] =	wrdreg $0xFFFFFFFF  }
0x1f: {  	s28 =	simm.s32 $_size_execute0_lowered;
	s3 =	sadd.s32 s3, s5;
	[dreg:$0x0] =	wrdreg $0x0  }
0x20: {  	s5 =	sshll.u32 s28, $0x1;
	[dreg:$0x2] =	wrdreg s3  }
0x21: {  	[dreg:$0x3] =	wrdreg s5  }
0x22: {  	[dreg:$0x4] =	wrdreg $0xC0  }
0x23: {  	_ =	task [dreg:s7], $0x5FFFF  }
0x24: {  	[dreg:$0x1] =	wrdreg $0xFFFFFFFF  }
0x25: {  	[dreg:$0x0] =	wrdreg $0x60  }
0x26: {  	[dreg:$0x2] =	wrdreg s2  }
0x27: {  	[dreg:$0x3] =	wrdreg s25  }
0x28: {  	[dreg:$0x4] =	wrdreg $0x9  }
0x29: {  	_ =	task.clear_ibuf [dreg:s7], $0x5FFFF;
	_ =	strace $0x90000046  }
0x2a: {  	s29 =	simm.s32 $0x9;
	_ =	strace $0x80000048  }
0x2b: {  	_ =	swait.ge [sflag:s29], $0x1  }
0x2c: {  	[sflag:s29] =	ssyncadd.s32 $0xFFFFFFFF  }
0x2d: {  	_ =	strace $0x90000048  }
0x2e: {  	_ =	sfence  }
0x2f: {  	s30 =	sld [smem:$0x0];
	_ =	sdelay $0x2  }
0x30: {  	s31 =	sshll.u32 s1, $0xD;
	s1 =	sshrl.u32 s1, $0x2  }
0x31: {  	s3 =	sand.u32 $0x4000, s31;
	s1 =	sadd.s32 s1, s30  }
0x32: {  	s0 =	sor.u32 s3, s0;
	s1 =	sshll.u32 s1, $0x11  }
0x33: {  	s0 =	sor.u32 s1, s0  }
0x34: {  	s0 =	sadd.s32 $0x8F2B, s0  }
0x35: {  	[sflag:s0] =	ssyncadd.remote.s32 $0x1  }
0x36: {  	_ =	sfence.sel $0xFFFF  }
0x37: {  	[dreg:$0x0] =	wrdreg $0xFFFFFFFF;
	(pc) =	sbr.abs _section_cstart, $3  }
0x38: {  	[dreg:$0x1] =	wrdreg $0xFFFFFFFF  }
0x39: {  	_ =	task.clear_ibuf [dreg:s7], $0x2FFFF;
	_ =	strace $0x9FFFFFFF  }
0x3a: {  	(tm) =	ssettm $0x7FFFFFFF  }
0x3b: {  	_ =	shalt  }
tec
execute0_lowered:
.L_overlay_start_1:
0x0: {  	(tag) =	ssettag $0x1  }
0x1: {  	s2 =	rddreg [dreg:$0x0]  }
0x2: {  	s1 =	rddreg [dreg:$0x1]  }
0x3: {  	s0 =	rddreg [dreg:$0x2];
	_ =	strace $0x80000047;
	s4 =	srdreg.scid  }
.Ltmp0:
0x4: {  	s6 =	simm.s32 $0x2;
	p0 =	por $0x0, $0x0;
	(pc) =	sbr.rel .LBB1_1-.Ltmp0, $4  }
0x5: {  	s9 =	simm.s32 $0x0;
	s3 =	sadd.s32 $0xA00, s1;
	s5 =	sshll.u32 s4, $0x4  }
0x6: {  	s1 =	stileid.u32;
	s4 =	simm.s32 $0x1;
	s5 =	sand.u32 $0x10, s5  }
0x7: {  	s7 =	simm.s32 $0x0;
	[sflag:s4] =	ssyncpa.u1 $0x0;
	s5 =	sor.u32 s1, s5  }
0x8: {  	[sflag:s6] =	ssyncpa.u1 $0x0;
	s6 =	simm.s32 $0x0;
	s8 =	smov.u32 s5  }
.LBB1_7:
0x9: {  	s11 =	sadd.s32 $0x20, s8  }
0xa: {  	p1 =	slt.u32 s7, $0x2;
	s7 =	sadd.s32 $0x1, s7;
	p2 =	sgt.s32 s11, $0x97F  }
0xb: {  	s11 =	smov.u32 @p2 s5;
	p2 =	sne.s32 s7, $0x4E  }
.Ltmp1:
0xc: {  	_ = 	snop;
	(pc) =	sbr.rel @!p2 .LBB1_8-.Ltmp1, $4  }
0xd: {  	s10 =	simm.s32 @!p1 $0x2  }
0xe: {  	_ =	swait.ge @!p1 [sflag:s10], $0x4000  }
0xf: {  	s9 =	smov.u32 s8;
	[sflag:s10] =	ssyncset.done @!p1 $0x0  }
0x10: {  	p0 =	por !p0, !p0;
	s8 =	smov.u32 s11;
	[sflag:s10] =	ssyncadd.s32 @!p1 $0xFFFFC000  }
.LBB1_1:
0x11: {  	p1 =	sgt.u32 s7, $0x4B  }
0x12: {  	s10 =	sxor.u32 @!p1 $0xFFFFFFFF, s7  }
0x13: {  	s11 =	sshll.u32 @!p1 s8, $0xB;
	s10 =	sshll.u32 @!p1 s10, $0xE  }
0x14: {  	s12 =	simm.s32 @!p1 $0x0;
	s11 =	sadd.s32 @!p1 s2, s11;
	s10 =	sand.u32 @!p1 $0x4000, s10  }
0x15: {  	[tilespmem:s10], [sflag:$0x1] =	stream.linear.gather @!p1 [hbm4b:s11+s12], $0x4000, $0x38;
	[tilespmem:$0x10000] =	vst v63  }
0x16: {  	p1 =	seq.s32 s7, $0x0  }
0x17: {  	p2 =	seq.s32 @!p1 s7, $0x4D  }
0x18: {  	p1 =	por p1, p2  }
.Ltmp2:
0x19: {  	_ = 	snop;
	(pc) =	sbr.rel @p1 .LBB1_7-.Ltmp2, $1  }
0x1a: {  	_ =	sdelay $0x3  }
0x1b: {  	s10 =	simm.s32 $0x1;
	_ =	swait.ge [sflag:s4], $0x4000;
	s12 =	sshll.u32 s7, $0xE  }
0x1c: {  	s13 =	simm.s32 $0x0;
	s10 =	simm.s32 @!p0 $0x0;
	[sflag:s4] =	ssyncset.done $0x0  }
0x1d: {  	s12 =	sand.u32 $0x4000, s12;
	s11 =	sshll.u32 s10, $0xE;
	[sflag:s4] =	ssyncadd.s32 $0xFFFFC000  }
0x1e: {  	s12 =	sor.u32 $0x8000, s12;
	s10 =	sor.u32 $0x8040, s11;
	s11 =	sor.u32 $0x40, s11  }
.LBB1_3:
0x1f: {  	v0 =	vmov s11;
	_ =	sdelay $0x3  }
0x20: {  	s15 =	simm.s32 $0x0  }
0x21: {  	v6 =	vld.idx.msk [tilespmem:v0+s15+$0x30 ss:$0x1], $0xffff  }
0x22: {  	v7 =	vld.idx.msk [tilespmem:v0+s15+$0xFFFFFFC0 ss:$0x1], $0xffff  }
0x23: {  	v5 =	vld.idx.msk [tilespmem:v0+s15+$0xFFFFFFD0 ss:$0x1], $0xffff  }
0x24: {  	v4 =	vld.idx.msk [tilespmem:v0+s15+$0xFFFFFFE0 ss:$0x1], $0xffff  }
0x25: {  	v3 =	vld.idx.msk [tilespmem:v0+s15+$0xFFFFFFF0 ss:$0x1], $0xffff  }
0x26: {  	v1 =	vld.idx.msk [tilespmem:v0+s15+$0x0 ss:$0x1], $0xffff  }
0x27: {  	v2 =	vld.idx.msk [tilespmem:v0+s15+$0x10 ss:$0x1], $0xffff;
	[tilespmem:s10+$0x30] =	vst v6  }
0x28: {  	s14 =	simm.s32 $0x80;
	s16 =	simm.s32 $0x400;
	[tilespmem:s10+$0xFFFFFFC0] =	vst v7;
	v6 =	vld.idx.msk [tilespmem:v0+s15+$0x20 ss:$0x1], $0xffff;
	s15 =	smov.u32 s10  }
.LBB1_4:
0x29: {  	p1 =	sne.s32 s16, $0xE00;
	v7 =	vld.idx.msk [tilespmem:v0+s14+$0x30 ss:$0x1], $0xffff;
	[tilespmem:s15+$0xFFFFFFD0] =	vst v5  }
0x2a: {  	v8 =	vld.idx.msk [tilespmem:v0+s14+$0xFFFFFFC0 ss:$0x1], $0xffff;
	[tilespmem:s15+$0xFFFFFFE0] =	vst v4  }
0x2b: {  	v5 =	vld.idx.msk [tilespmem:v0+s14+$0xFFFFFFD0 ss:$0x1], $0xffff;
	[tilespmem:s15+$0xFFFFFFF0] =	vst v3  }
.Ltmp3:
0x2c: {  	v4 =	vld.idx.msk [tilespmem:v0+s14+$0xFFFFFFE0 ss:$0x1], $0xffff;
	[tilespmem:s15+$0x0] =	vst v1;
	(pc) =	sbr.rel @p1 .LBB1_4-.Ltmp3, $4  }
0x2d: {  	v3 =	vld.idx.msk [tilespmem:v0+s14+$0xFFFFFFF0 ss:$0x1], $0xffff;
	[tilespmem:s15+$0x10] =	vst v2  }
0x2e: {  	v1 =	vld.idx.msk [tilespmem:v0+s14+$0x0 ss:$0x1], $0xffff;
	[tilespmem:s15+$0x20] =	vst v6;
	s15 =	sadd.s32 $0x800, s15  }
0x2f: {  	v2 =	vld.idx.msk [tilespmem:v0+s14+$0x10 ss:$0x1], $0xffff;
	[tilespmem:s15+$0x30] =	vst v7  }
0x30: {  	[tilespmem:s15+$0xFFFFFFC0] =	vst v8;
	v6 =	vld.idx.msk [tilespmem:v0+s14+$0x20 ss:$0x1], $0xffff;
	s14 =	sshra.s32 s16, $0x2;
	s16 =	sadd.s32 $0x200, s16  }
0x31: {  	_ =	sdelay $0x2  }
0x32: {  	[tilespmem:s15+$0xFFFFFFD0] =	vst v5  }
0x33: {  	v56 =	vld.idx.msk [tilespmem:v0+s14+$0x30 ss:$0x1], $0xffff;
	[tilespmem:s15+$0xFFFFFFE0] =	vst v4  }
0x34: {  	v57 =	vld.idx.msk [tilespmem:v0+s14+$0xFFFFFFC0 ss:$0x1], $0xffff;
	[tilespmem:s15+$0xFFFFFFF0] =	vst v3  }
0x35: {  	v58 =	vld.idx.msk [tilespmem:v0+s14+$0xFFFFFFD0 ss:$0x1], $0xffff;
	[tilespmem:s15+$0x0] =	vst v1  }
0x36: {  	v59 =	vld.idx.msk [tilespmem:v0+s14+$0xFFFFFFE0 ss:$0x1], $0xffff;
	[tilespmem:s15+$0x10] =	vst v2  }
0x37: {  	v60 =	vld.idx.msk [tilespmem:v0+s14+$0xFFFFFFF0 ss:$0x1], $0xffff;
	s31 =	sadd.s32 $0x800, s15;
	[tilespmem:s15+$0x20] =	vst v6  }
0x38: {  	v61 =	vld.idx.msk [tilespmem:v0+s14+$0x0 ss:$0x1], $0xffff;
	[tilespmem:s31+$0x30] =	vst v56  }
0x39: {  	v62 =	vld.idx.msk [tilespmem:v0+s14+$0x10 ss:$0x1], $0xffff;
	s13 =	sadd.s32 $0x1, s13;
	[tilespmem:s31+$0xFFFFFFC0] =	vst v57  }
0x3a: {  	v63 =	vld.idx.msk [tilespmem:v0+s14+$0x20 ss:$0x1], $0xffff;
	p1 =	sne.s32 s13, $0x10;
	[tilespmem:s31+$0xFFFFFFD0] =	vst v58  }
.Ltmp4:
0x3b: {  	[tilespmem:s31+$0xFFFFFFE0] =	vst v59;
	(pc) =	sbr.rel @p1 .LBB1_3-.Ltmp4, $4  }
0x3c: {  	[tilespmem:s31+$0xFFFFFFF0] =	vst v60  }
0x3d: {  	[tilespmem:s31+$0x0] =	vst v61  }
0x3e: {  	[tilespmem:s31+$0x10] =	vst v62  }
0x3f: {  	s10 =	sadd.s32 $0x80, s10;
	s11 =	sadd.s32 $0x400, s11;
	[tilespmem:s31+$0x20] =	vst v63  }
.Ltmp5:
0x40: {  	(pc) =	sbr.rel .LBB1_7-.Ltmp5, $4  }
0x41: {  	_ = 	snop  }
0x42: {  	s9 =	sshll.u32 s9, $0xB  }
0x43: {  	s9 =	sadd.s32 s3, s9  }
0x44: {  	[hbm4b:s9+s6] =	stream.linear.scatter [tilespmem:s12], [sflag:$0x2], $0x4000, $0x38;
	[tilespmem:$0x10000] =	vst v63  }
.LBB1_8:
0x45: {  	_ =	sfence.sel $0x180000  }
0x46: {  	s2 =	simm.s32 $0x1;
	[bflag:$0x0] =	sbarrier.arrive $0xFFFF  }
0x47: {  	s31 =	simm.s32 $0x2;
	[sflag:s2] =	ssyncpa.u1 $0x1  }
0x48: {  	[sflag:s31] =	ssyncpa.u1 $0x1  }
0x49: {  	p0 =	sne.s32 s1, $0x0;
	_ =	strace $0x90000047  }
0x4a: {  	s0 =	sadd.s32 @!p0 $0x100000, s0;
	[bflag:$0x2] =	sbarrier.arrive $0xFFFF  }
0x4b: {  	[sflag:s0] =	ssyncadd.tile.s32 @!p0 $0x1;
	_ =	shalt  }
.Lfunc_end1:
_tile_overlayer_lowered:
.L_overlay_start_2:
0x4c: {  	(tag) =	ssettag $0x2  }
0x4d: {  	s0 =	rddreg [dreg:$0x0];
	s2 =	stileid.u32  }
0x4e: {  	s1 =	rddreg [dreg:$0x1];
	p0 =	sne.s32 s2, $0x0  }
0x4f: {  	s3 =	rddreg [dreg:$0x2];
	[bflag:$0x3] =	sbarrier.arrive $0xFFFF;
	s2 =	simm.s32 @!p0 $0x1C01  }
0x50: {  	[timem:s3], [sflag:s2] =	dma.local @!p0 [hbm:s0], s1  }
0x51: {  	s0 =	simm.s32 @!p0 $0x1  }
0x52: {  	_ =	swait.ge @!p0 [sflag:s0], s1  }
0x53: {  	s1 =	ssub.s32 @!p0 $0x0, s1;
	[sflag:s0] =	ssyncset.done @!p0 $0x0  }
0x54: {  	[sflag:s0] =	ssyncadd.s32 @!p0 s1  }
0x55: {  	[bflag:$0x3] =	sbarrier.arrive $0xFFFF  }
0x56: {  	_ =	shalt  }

</sc_bundles>
